<compile_context>
chip_gen: v7x
topology: tpu7x:2x2x1
jax: 0.10.2.dev20260603
libtpu: 0.0.44.dev20260713+nightly
codegen_flags: <defaults>
</compile_context>

<pallas_src>
import functools

import jax
import jax.numpy as jnp
from jax import lax
from jax.experimental import pallas as pl
from jax.experimental.pallas import tpu as pltpu
from jax.experimental.pallas import tpu_sc as plsc

TOPK_K = 200
LANES = 128
REC = 8
RPR = LANES // REC
SEL = 224
GCH = 13


def _score_stage(det_ref, rec_ref):
    d = det_ref[0]
    C, F = d.shape
    dt = d.T
    row = lax.broadcasted_iota(jnp.int32, (F, C), 0)
    row_f = (row - 5).astype(jnp.float32)
    neg = jnp.float32(-jnp.inf)
    dm = jnp.where(row >= 5, dt, neg)
    m = jnp.max(dm, axis=0, keepdims=True)
    am = jnp.min(jnp.where(dm == m, row_f, jnp.float32(F)),
                 axis=0, keepdims=True)
    obj = jnp.max(jnp.where(row == 4, dt, neg), axis=0, keepdims=True)
    score = m * obj
    rec_ref[0] = jnp.concatenate(
        [dt[0:4, :], score, am, score, score], axis=0)


def _thresh_stage(sp_ref, thr_ref, *, k):
    s = sp_ref[...]
    B = s.shape[0]
    si = lax.bitcast_convert_type(s, jnp.int32)

    def body(i, t):
        bit = 30 - i
        tt = jnp.bitwise_or(t, lax.shift_left(jnp.int32(1), bit))
        cnt = jnp.sum((si >= tt).astype(jnp.int32), axis=1, keepdims=True)
        return jnp.where(cnt >= k, tt, t)

    t = lax.fori_loop(0, 31, body, jnp.zeros((B, 1), jnp.int32))
    thr_ref[...] = jnp.broadcast_to(t, thr_ref.shape)


def _tree16(vs, op):
    while len(vs) > 1:
        vs = [op(vs[i], vs[i + 1]) if i + 1 < len(vs) else vs[i]
              for i in range(0, len(vs), 2)]
    return vs[0]


def _select_gather(sp_hbm, thr_hbm, rec_hbm, out_hbm, sv, thr_v, gv_ref,
                   gi_ref, ei_ref, selrow, sub_v, ri1, ri2, rows1, rows2,
                   outv, sem, *, n, np_, k, nr, h, w):
    cid = lax.axis_index("c")
    sid = lax.axis_index("s")
    wid = sid * 2 + cid
    B = out_hbm.shape[0]
    lane = lax.broadcasted_iota(jnp.int32, (16,), 0)
    MIN = jnp.int32(-2**31)
    BIG = jnp.int32(1 << 30)

    @pl.when(wid < B)
    def _():
        b = wid
        pltpu.sync_copy(sp_hbm.at[b], sv)
        pltpu.sync_copy(thr_hbm.at[b], thr_v)
        t = thr_v[pl.ds(0, 16)][0]

        for i in range(SEL // 16):
            sl = pl.ds(i * 16, 16)
            gv_ref[sl] = jnp.zeros((16,), jnp.int32) + MIN
            gi_ref[sl] = jnp.zeros((16,), jnp.int32)

        def compact(i, carry):
            cg, ce = carry
            v = sv[pl.ds(i * 16, 16)]
            vi = plsc.bitcast(v, jnp.int32)
            idxv = i * 16 + lane
            m_g = vi > t
            m_e = vi == t
            plsc.store_compressed(gv_ref.at[pl.ds(cg, 16)], vi, mask=m_g)
            plsc.store_compressed(gi_ref.at[pl.ds(cg, 16)], idxv, mask=m_g)
            plsc.store_compressed(ei_ref.at[pl.ds(ce, 16)], idxv, mask=m_e)
            cg = cg + plsc.all_reduce_population_count(m_g)[0]
            ce = ce + plsc.all_reduce_population_count(m_e)[0]
            return cg, ce

        k1, _ = lax.fori_loop(0, np_ // 16, compact,
                              (jnp.int32(0), jnp.int32(0)))

        gvs = [gv_ref[pl.ds(i * 16, 16)] for i in range(GCH)]
        gis = [gi_ref[pl.ds(i * 16, 16)] for i in range(GCH)]

        def extract(j, carry):
            gvs, gis, acc = carry
            m = lax.reduce_max(_tree16(gvs, jnp.maximum), axes=(0,))
            cand = [jnp.where(gvs[i] == m, gis[i], BIG)
                    for i in range(GCH)]
            gi = lax.reduce_min(_tree16(cand, jnp.minimum), axes=(0,))
            gvs = [jnp.where((gvs[i] == m) & (gis[i] == gi), MIN, gvs[i])
                   for i in range(GCH)]
            acc = jnp.where(lane == jnp.bitwise_and(j, 15), gi, acc)
            selrow[pl.ds(jnp.bitwise_and(j, ~15), 16)] = acc
            return gvs, gis, acc

        lax.fori_loop(0, k, extract,
                      (gvs, gis, jnp.zeros((16,), jnp.int32)))

        for i in range(GCH):
            @pl.when(k1 + i * 16 < 208)
            def _():
                selrow[pl.ds(k1 + i * 16, 16)] = ei_ref[pl.ds(i * 16, 16)]

        for i in range(SEL // 16):
            sl = pl.ds(i * 16, 16)
            rv = selrow[sl]
            rv = jnp.minimum(jnp.maximum(rv, 0), n - 1)
            selrow[sl] = rv
            rid = b * nr + lax.shift_right_logical(rv, 4)
            sub_v[sl] = jnp.bitwise_and(rv, 15)
            if i < 8:
                ri1[pl.ds(i * 16, 16)] = rid
            else:
                ri2[pl.ds((i - 8) * 16, 16)] = rid

        cp1 = pltpu.async_copy(rec_hbm.at[ri1], rows1, sem)
        cp1.wait()
        cp2 = pltpu.async_copy(rec_hbm.at[ri2], rows2, sem)
        cp2.wait()

        b_f = b.astype(jnp.float32)
        bvec = jnp.zeros((16,), jnp.float32) + b_f

        def unpack(rows_v, t, pbase):
            sub = sub_v[pl.ds((t + pbase) * 16, 16)]
            rloc = t * 16 + lane

            def fld(c):
                return plsc.load_gather(rows_v, [rloc, c * 16 + sub])

            cx = fld(0)
            cy = fld(1)
            wv = fld(2)
            hv = fld(3)
            score = fld(4)
            cls = fld(5)
            hw = wv * jnp.float32(0.5)
            hh = hv * jnp.float32(0.5)
            vals = [
                bvec,
                cls,
                score,
                (cx - hw) * jnp.float32(1.0 / (h - 1.0)),
                (cy - hh) * jnp.float32(1.0 / (w - 1.0)),
                (cx + hw) * jnp.float32(1.0 / (h - 1.0)),
                (cy + hh) * jnp.float32(1.0 / (w - 1.0)),
            ]
            grow = (t + pbase) * 16 + lane
            for c2, v in enumerate(vals):
                colv = jnp.zeros((16,), jnp.int32) + c2
                plsc.store_scatter(outv, [grow, colv], v)

        def un1(t, _):
            unpack(rows1, t, 0)
            return 0

        def un2(t, _):
            unpack(rows2, t, 8)
            return 0

        lax.fori_loop(0, 8, un1, 0)
        lax.fori_loop(0, SEL // 16 - 8, un2, 0)
        pltpu.sync_copy(outv, out_hbm.at[b])


def kernel(x, det):
    B, N, F = det.shape
    H, W = x.shape[2], x.shape[3]
    K = TOPK_K
    NR = N // RPR
    C = 2000
    NC = N // C

    rec_t = pl.pallas_call(
        _score_stage,
        grid=(B,),
        in_specs=[pl.BlockSpec((1, N, F), lambda b: (b, 0, 0))],
        out_specs=pl.BlockSpec((1, REC, N), lambda b: (b, 0, 0)),
        out_shape=jax.ShapeDtypeStruct((B, REC, N), jnp.float32),
    )(det)

    rec = rec_t.reshape(B, REC, NR, RPR).transpose(0, 2, 1, 3)
    rec = rec.reshape(B * NR, LANES)

    n_pad = ((N + LANES - 1) // LANES) * LANES
    sp = jnp.pad(rec_t[:, 4, :], ((0, 0), (0, n_pad - N)),
                 constant_values=-jnp.inf)

    thr = pl.pallas_call(
        functools.partial(_thresh_stage, k=K),
        in_specs=[pl.BlockSpec((B, n_pad), lambda: (0, 0))],
        out_specs=pl.BlockSpec((B, LANES), lambda: (0, 0)),
        out_shape=jax.ShapeDtypeStruct((B, LANES), jnp.int32),
    )(sp)

    mesh = plsc.VectorSubcoreMesh(core_axis_name="c", subcore_axis_name="s")
    select_gather = pl.kernel(
        functools.partial(_select_gather, n=N, np_=n_pad, k=K, nr=NR,
                          h=float(H), w=float(W)),
        mesh=mesh,
        compiler_params=pltpu.CompilerParams(needs_layout_passes=False),
        out_type=jax.ShapeDtypeStruct((B, SEL, 16), jnp.float32),
        scratch_types=[
            pltpu.VMEM((n_pad,), jnp.float32),
            pltpu.VMEM((LANES,), jnp.int32),
            pltpu.VMEM((SEL,), jnp.int32),
            pltpu.VMEM((SEL,), jnp.int32),
            pltpu.VMEM((n_pad,), jnp.int32),
            pltpu.VMEM((SEL,), jnp.int32),
            pltpu.VMEM((SEL,), jnp.int32),
            pltpu.VMEM((128,), jnp.int32),
            pltpu.VMEM((96,), jnp.int32),
            pltpu.VMEM((128, LANES), jnp.float32),
            pltpu.VMEM((96, LANES), jnp.float32),
            pltpu.VMEM((SEL, 16), jnp.float32),
            pltpu.SemaphoreType.DMA,
        ],
    )
    tiles = select_gather(sp, thr, rec)

    final = tiles[:, :K, :7].reshape(B * K, 7)
    return (final, final[:, 0])

# --- scband reference (transcript-rebuilt; emitter-appended) ---
"""Pipeline reference for scband-yolo-xwrapper-trt-60816736911852 (READ-ONLY COPY).

The authoritative reference and input builder live on the scoring server;
editing this copy changes nothing except your own understanding.
"""

import jax, jax.numpy as jnp
import numpy as np

TOPK = 200

def setup_inputs(seed: int = 0):
    key = jax.random.key(seed)
    k1, k2 = jax.random.split(key)
    x = jax.random.normal(k1, (16, 3, 640, 640), dtype=jnp.float32)
    det = jax.random.uniform(k2, (16, 20000, 85), dtype=jnp.float32)
    return {"x": x, "det": det}

def reference(x, det):
    # det plays the role of self.model(x)[0]: [B, N, 5 + num_classes]
    output = det
    B = output.shape[0]
    box_count = output.shape[1]
    cls_scores = jnp.max(output[:, :, 5:], axis=2, keepdims=True)
    cls_pred = jnp.argmax(output[:, :, 5:], axis=2)[:, :, None]
    batch_ids = jnp.broadcast_to(jnp.arange(B)[:, None], (B, box_count))[:, :, None]
    scores = cls_scores * output[:, :, 4:5]
    out7 = jnp.concatenate([
        batch_ids.astype(x.dtype),
        cls_pred.astype(x.dtype),
        scores,
        output[:, :, :4],
    ], axis=2)
    _, idx = jax.lax.top_k(scores[:, :, 0], TOPK)  # [B, TOPK]
    flat_idx = idx.reshape(-1) + jnp.repeat(jnp.arange(B), TOPK) * box_count
    sel = out7.reshape(-1, 7)[flat_idx]
    cx = sel[:, 3]; cy = sel[:, 4]; w = sel[:, 5]; h = sel[:, 6]
    x1 = cx - w / 2.0
    y1 = cy - h / 2.0
    x2 = cx + w / 2.0
    y2 = cy + h / 2.0
    H = x.shape[2]; W = x.shape[3]
    x1 = x1 / (H - 1)
    y1 = y1 / (W - 1)
    x2 = x2 / (H - 1)
    y2 = y2 / (W - 1)
    final = jnp.concatenate([sel[:, :3], jnp.stack([x1, y1, x2, y2], axis=1)], axis=1)
    return (final, final[:, 0])

if __name__ == "__main__":
    import jax
    _d = setup_inputs()
    print(jax.jit(kernel)(*tuple(_d.values())))

</pallas_src>

<mosaic_0001>
#map = affine_map<(d0, d1) -> (0, 0)>
#map1 = affine_map<(d0, d1) -> (0, 0, 0)>
module attributes {stable_mosaic.version = 14 : i64} {
  func.func @_select_gather(%arg0: i32, %arg1: i32, %arg2: memref<16x20096xf32, #tpu.memory_space<hbm>>, %arg3: memref<16x128xi32, #tpu.memory_space<hbm>>, %arg4: memref<20000x128xf32, #tpu.memory_space<hbm>>, %arg5: memref<16x224x16xf32, #tpu.memory_space<hbm>>, %arg6: memref<20096xf32, #tpu.memory_space<vmem>>, %arg7: memref<128xi32, #tpu.memory_space<vmem>>, %arg8: memref<224xi32, #tpu.memory_space<vmem>>, %arg9: memref<224xi32, #tpu.memory_space<vmem>>, %arg10: memref<20096xi32, #tpu.memory_space<vmem>>, %arg11: memref<224xi32, #tpu.memory_space<vmem>>, %arg12: memref<224xi32, #tpu.memory_space<vmem>>, %arg13: memref<128xi32, #tpu.memory_space<vmem>>, %arg14: memref<96xi32, #tpu.memory_space<vmem>>, %arg15: memref<128x128xf32, #tpu.memory_space<vmem>>, %arg16: memref<96x128xf32, #tpu.memory_space<vmem>>, %arg17: memref<224x16xf32, #tpu.memory_space<vmem>>, %arg18: memref<!tpu.dma_semaphore, #tpu.memory_space<semaphore_mem>>) attributes {dimension_semantics = [#tpu.dimension_semantics<core_parallel>, #tpu.dimension_semantics<subcore_parallel>], iteration_bounds = array<i64: 2, 16>, scalar_prefetch = 0 : i64, scratch_operands = 13 : i64, tpu.core_type = #tpu.core_type<sc_vector_subcore>, window_params = [{transform_indices = #map}, {transform_indices = #map}, {transform_indices = #map}, {transform_indices = #map1}]} {
    %mul3A = arith.constant 2 : i32
    %mul3A_0 = arith.muli %arg1, %mul3A : i32
    %add3A = arith.addi %mul3A_0, %arg0 : i32
    %iota3A = tpu.iota {dimensions = array<i32: 0>} : vector<16xi32>
    %lt3A = arith.constant 16 : i32
    %lt3A_1 = arith.cmpi slt, %add3A, %lt3A : i32
    %convert_element_type3A = arith.extui %lt3A_1 : i1 to i32
    %cond3A = arith.constant -2147483648 : i32
    %cond3A_2 = arith.constant 1073741824 : i32
    %cond3A_3 = arith.constant 0 : i32
    %cond3A_4 = arith.cmpi ne, %convert_element_type3A, %cond3A_3 : i32
    scf.if %cond3A_4 {
      "tpu.region"() ({
        %run_scoped3A = tpu.sem_alloc : memref<!tpu.dma_semaphore, #tpu.memory_space<semaphore_mem>>
        %dma_start3A_663 = arith.constant 0 : i32
        %dma_start3A_664 = tpu.memref_slice %arg2[%add3A, %dma_start3A_663] : memref<16x20096xf32, #tpu.memory_space<hbm>> -> memref<1x20096xf32, #tpu.memory_space<hbm>>
        %dma_start3A_665 = tpu.memref_squeeze %dma_start3A_664 : memref<1x20096xf32, #tpu.memory_space<hbm>> -> memref<20096xf32, #tpu.memory_space<hbm>>
        %dma_start3A_666 = arith.constant 0 : i32
        %dma_start3A_667 = tpu.memref_slice %arg2[%add3A, %dma_start3A_666] : memref<16x20096xf32, #tpu.memory_space<hbm>> -> memref<1x20096xf32, #tpu.memory_space<hbm>>
        %dma_start3A_668 = tpu.memref_squeeze %dma_start3A_667 : memref<1x20096xf32, #tpu.memory_space<hbm>> -> memref<20096xf32, #tpu.memory_space<hbm>>
        tpu.enqueue_dma source(%dma_start3A_668 : memref<20096xf32, #tpu.memory_space<hbm>>) target(%arg6 : memref<20096xf32, #tpu.memory_space<vmem>>) target_semaphore(%run_scoped3A : memref<!tpu.dma_semaphore, #tpu.memory_space<semaphore_mem>>)
        %dma_wait3A_669 = arith.constant 0 : i32
        %dma_wait3A_670 = tpu.memref_slice %arg2[%add3A, %dma_wait3A_669] : memref<16x20096xf32, #tpu.memory_space<hbm>> -> memref<1x20096xf32, #tpu.memory_space<hbm>>
        %dma_wait3A_671 = tpu.memref_squeeze %dma_wait3A_670 : memref<1x20096xf32, #tpu.memory_space<hbm>> -> memref<20096xf32, #tpu.memory_space<hbm>>
        %dma_wait3A_672 = arith.constant 0 : i32
        %dma_wait3A_673 = tpu.memref_slice %arg2[%add3A, %dma_wait3A_672] : memref<16x20096xf32, #tpu.memory_space<hbm>> -> memref<1x20096xf32, #tpu.memory_space<hbm>>
        %dma_wait3A_674 = tpu.memref_squeeze %dma_wait3A_673 : memref<1x20096xf32, #tpu.memory_space<hbm>> -> memref<20096xf32, #tpu.memory_space<hbm>>
        tpu.wait_dma2 semaphore(%run_scoped3A : memref<!tpu.dma_semaphore, #tpu.memory_space<semaphore_mem>>) src(%dma_wait3A_674 : memref<20096xf32, #tpu.memory_space<hbm>>) dst(%arg6 : memref<20096xf32, #tpu.memory_space<vmem>>)
        tpu.yield
      }) : () -> ()
      "tpu.region"() ({
        %run_scoped3A = tpu.sem_alloc : memref<!tpu.dma_semaphore, #tpu.memory_space<semaphore_mem>>
        %dma_start3A_663 = arith.constant 0 : i32
        %dma_start3A_664 = tpu.memref_slice %arg3[%add3A, %dma_start3A_663] : memref<16x128xi32, #tpu.memory_space<hbm>> -> memref<1x128xi32, #tpu.memory_space<hbm>>
        %dma_start3A_665 = tpu.memref_squeeze %dma_start3A_664 : memref<1x128xi32, #tpu.memory_space<hbm>> -> memref<128xi32, #tpu.memory_space<hbm>>
        %dma_start3A_666 = arith.constant 0 : i32
        %dma_start3A_667 = tpu.memref_slice %arg3[%add3A, %dma_start3A_666] : memref<16x128xi32, #tpu.memory_space<hbm>> -> memref<1x128xi32, #tpu.memory_space<hbm>>
        %dma_start3A_668 = tpu.memref_squeeze %dma_start3A_667 : memref<1x128xi32, #tpu.memory_space<hbm>> -> memref<128xi32, #tpu.memory_space<hbm>>
        tpu.enqueue_dma source(%dma_start3A_668 : memref<128xi32, #tpu.memory_space<hbm>>) target(%arg7 : memref<128xi32, #tpu.memory_space<vmem>>) target_semaphore(%run_scoped3A : memref<!tpu.dma_semaphore, #tpu.memory_space<semaphore_mem>>)
        %dma_wait3A_669 = arith.constant 0 : i32
        %dma_wait3A_670 = tpu.memref_slice %arg3[%add3A, %dma_wait3A_669] : memref<16x128xi32, #tpu.memory_space<hbm>> -> memref<1x128xi32, #tpu.memory_space<hbm>>
        %dma_wait3A_671 = tpu.memref_squeeze %dma_wait3A_670 : memref<1x128xi32, #tpu.memory_space<hbm>> -> memref<128xi32, #tpu.memory_space<hbm>>
        %dma_wait3A_672 = arith.constant 0 : i32
        %dma_wait3A_673 = tpu.memref_slice %arg3[%add3A, %dma_wait3A_672] : memref<16x128xi32, #tpu.memory_space<hbm>> -> memref<1x128xi32, #tpu.memory_space<hbm>>
        %dma_wait3A_674 = tpu.memref_squeeze %dma_wait3A_673 : memref<1x128xi32, #tpu.memory_space<hbm>> -> memref<128xi32, #tpu.memory_space<hbm>>
        tpu.wait_dma2 semaphore(%run_scoped3A : memref<!tpu.dma_semaphore, #tpu.memory_space<semaphore_mem>>) src(%dma_wait3A_674 : memref<128xi32, #tpu.memory_space<hbm>>) dst(%arg7 : memref<128xi32, #tpu.memory_space<vmem>>)
        tpu.yield
      }) : () -> ()
      %get3A = arith.constant 0 : index
      %get3A_5 = tpu.vector_load %arg7[%get3A] {strides = array<i32>} : memref<128xi32, #tpu.memory_space<vmem>>, vector<16xi32>,
      %slice3A = vector.extract_strided_slice %get3A_5 {offsets = [0], sizes = [1], strides = [1]} : vector<16xi32> to vector<1xi32>
      %squeeze3A = vector.extract %slice3A[0] : i32 from vector<1xi32>
      %broadcast_in_dim3A = arith.constant 0 : i32
      %broadcast_in_dim3A_6 = vector.broadcast %broadcast_in_dim3A : i32 to vector<16xi32>
      %add3A_7 = vector.broadcast %cond3A : i32 to vector<16xi32>
      %add3A_8 = arith.addi %broadcast_in_dim3A_6, %add3A_7 : vector<16xi32>
      %swap3A = arith.constant 0 : index
      %swap3A_9 = tpu.vector_load %arg8[%swap3A] {strides = array<i32>} : memref<224xi32, #tpu.memory_space<vmem>>, vector<16xi32>,
      tpu.vector_store %arg8[%swap3A], %add3A_8 {strides = array<i32>} : memref<224xi32, #tpu.memory_space<vmem>>, vector<16xi32>,
      %broadcast_in_dim3A_10 = arith.constant 0 : i32
      %broadcast_in_dim3A_11 = vector.broadcast %broadcast_in_dim3A_10 : i32 to vector<16xi32>
      %swap3A_12 = arith.constant 0 : index
      %swap3A_13 = tpu.vector_load %arg9[%swap3A_12] {strides = array<i32>} : memref<224xi32, #tpu.memory_space<vmem>>, vector<16xi32>,
      tpu.vector_store %arg9[%swap3A_12], %broadcast_in_dim3A_11 {strides = array<i32>} : memref<224xi32, #tpu.memory_space<vmem>>, vector<16xi32>,
      %broadcast_in_dim3A_14 = arith.constant 0 : i32
      %broadcast_in_dim3A_15 = vector.broadcast %broadcast_in_dim3A_14 : i32 to vector<16xi32>
      %add3A_16 = vector.broadcast %cond3A : i32 to vector<16xi32>
      %add3A_17 = arith.addi %broadcast_in_dim3A_15, %add3A_16 : vector<16xi32>
      %swap3A_18 = arith.constant 16 : index
      %swap3A_19 = tpu.vector_load %arg8[%swap3A_18] {strides = array<i32>} : memref<224xi32, #tpu.memory_space<vmem>>, vector<16xi32>,
      tpu.vector_store %arg8[%swap3A_18], %add3A_17 {strides = array<i32>} : memref<224xi32, #tpu.memory_space<vmem>>, vector<16xi32>,
      %broadcast_in_dim3A_20 = arith.constant 0 : i32
      %broadcast_in_dim3A_21 = vector.broadcast %broadcast_in_dim3A_20 : i32 to vector<16xi32>
      %swap3A_22 = arith.constant 16 : index
      %swap3A_23 = tpu.vector_load %arg9[%swap3A_22] {strides = array<i32>} : memref<224xi32, #tpu.memory_space<vmem>>, vector<16xi32>,
      tpu.vector_store %arg9[%swap3A_22], %broadcast_in_dim3A_21 {strides = array<i32>} : memref<224xi32, #tpu.memory_space<vmem>>, vector<16xi32>,
      %broadcast_in_dim3A_24 = arith.constant 0 : i32
      %broadcast_in_dim3A_25 = vector.broadcast %broadcast_in_dim3A_24 : i32 to vector<16xi32>
      %add3A_26 = vector.broadcast %cond3A : i32 to vector<16xi32>
      %add3A_27 = arith.addi %broadcast_in_dim3A_25, %add3A_26 : vector<16xi32>
      %swap3A_28 = arith.constant 32 : index
      %swap3A_29 = tpu.vector_load %arg8[%swap3A_28] {strides = array<i32>} : memref<224xi32, #tpu.memory_space<vmem>>, vector<16xi32>,
      tpu.vector_store %arg8[%swap3A_28], %add3A_27 {strides = array<i32>} : memref<224xi32, #tpu.memory_space<vmem>>, vector<16xi32>,
      %broadcast_in_dim3A_30 = arith.constant 0 : i32
      %broadcast_in_dim3A_31 = vector.broadcast %broadcast_in_dim3A_30 : i32 to vector<16xi32>
      %swap3A_32 = arith.constant 32 : index
      %swap3A_33 = tpu.vector_load %arg9[%swap3A_32] {strides = array<i32>} : memref<224xi32, #tpu.memory_space<vmem>>, vector<16xi32>,
      tpu.vector_store %arg9[%swap3A_32], %broadcast_in_dim3A_31 {strides = array<i32>} : memref<224xi32, #tpu.memory_space<vmem>>, vector<16xi32>,
      %broadcast_in_dim3A_34 = arith.constant 0 : i32
      %broadcast_in_dim3A_35 = vector.broadcast %broadcast_in_dim3A_34 : i32 to vector<16xi32>
      %add3A_36 = vector.broadcast %cond3A : i32 to vector<16xi32>
      %add3A_37 = arith.addi %broadcast_in_dim3A_35, %add3A_36 : vector<16xi32>
      %swap3A_38 = arith.constant 48 : index
      %swap3A_39 = tpu.vector_load %arg8[%swap3A_38] {strides = array<i32>} : memref<224xi32, #tpu.memory_space<vmem>>, vector<16xi32>,
      tpu.vector_store %arg8[%swap3A_38], %add3A_37 {strides = array<i32>} : memref<224xi32, #tpu.memory_space<vmem>>, vector<16xi32>,
      %broadcast_in_dim3A_40 = arith.constant 0 : i32
      %broadcast_in_dim3A_41 = vector.broadcast %broadcast_in_dim3A_40 : i32 to vector<16xi32>
      %swap3A_42 = arith.constant 48 : index
      %swap3A_43 = tpu.vector_load %arg9[%swap3A_42] {strides = array<i32>} : memref<224xi32, #tpu.memory_space<vmem>>, vector<16xi32>,
      tpu.vector_store %arg9[%swap3A_42], %broadcast_in_dim3A_41 {strides = array<i32>} : memref<224xi32, #tpu.memory_space<vmem>>, vector<16xi32>,
      %broadcast_in_dim3A_44 = arith.constant 0 : i32
      %broadcast_in_dim3A_45 = vector.broadcast %broadcast_in_dim3A_44 : i32 to vector<16xi32>
      %add3A_46 = vector.broadcast %cond3A : i32 to vector<16xi32>
      %add3A_47 = arith.addi %broadcast_in_dim3A_45, %add3A_46 : vector<16xi32>
      %swap3A_48 = arith.constant 64 : index
      %swap3A_49 = tpu.vector_load %arg8[%swap3A_48] {strides = array<i32>} : memref<224xi32, #tpu.memory_space<vmem>>, vector<16xi32>,
      tpu.vector_store %arg8[%swap3A_48], %add3A_47 {strides = array<i32>} : memref<224xi32, #tpu.memory_space<vmem>>, vector<16xi32>,
      %broadcast_in_dim3A_50 = arith.constant 0 : i32
      %broadcast_in_dim3A_51 = vector.broadcast %broadcast_in_dim3A_50 : i32 to vector<16xi32>
      %swap3A_52 = arith.constant 64 : index
      %swap3A_53 = tpu.vector_load %arg9[%swap3A_52] {strides = array<i32>} : memref<224xi32, #tpu.memory_space<vmem>>, vector<16xi32>,
      tpu.vector_store %arg9[%swap3A_52], %broadcast_in_dim3A_51 {strides = array<i32>} : memref<224xi32, #tpu.memory_space<vmem>>, vector<16xi32>,
      %broadcast_in_dim3A_54 = arith.constant 0 : i32
      %broadcast_in_dim3A_55 = vector.broadcast %broadcast_in_dim3A_54 : i32 to vector<16xi32>
      %add3A_56 = vector.broadcast %cond3A : i32 to vector<16xi32>
      %add3A_57 = arith.addi %broadcast_in_dim3A_55, %add3A_56 : vector<16xi32>
      %swap3A_58 = arith.constant 80 : index
      %swap3A_59 = tpu.vector_load %arg8[%swap3A_58] {strides = array<i32>} : memref<224xi32, #tpu.memory_space<vmem>>, vector<16xi32>,
      tpu.vector_store %arg8[%swap3A_58], %add3A_57 {strides = array<i32>} : memref<224xi32, #tpu.memory_space<vmem>>, vector<16xi32>,
      %broadcast_in_dim3A_60 = arith.constant 0 : i32
      %broadcast_in_dim3A_61 = vector.broadcast %broadcast_in_dim3A_60 : i32 to vector<16xi32>
      %swap3A_62 = arith.constant 80 : index
      %swap3A_63 = tpu.vector_load %arg9[%swap3A_62] {strides = array<i32>} : memref<224xi32, #tpu.memory_space<vmem>>, vector<16xi32>,
      tpu.vector_store %arg9[%swap3A_62], %broadcast_in_dim3A_61 {strides = array<i32>} : memref<224xi32, #tpu.memory_space<vmem>>, vector<16xi32>,
      %broadcast_in_dim3A_64 = arith.constant 0 : i32
      %broadcast_in_dim3A_65 = vector.broadcast %broadcast_in_dim3A_64 : i32 to vector<16xi32>
      %add3A_66 = vector.broadcast %cond3A : i32 to vector<16xi32>
      %add3A_67 = arith.addi %broadcast_in_dim3A_65, %add3A_66 : vector<16xi32>
      %swap3A_68 = arith.constant 96 : index
      %swap3A_69 = tpu.vector_load %arg8[%swap3A_68] {strides = array<i32>} : memref<224xi32, #tpu.memory_space<vmem>>, vector<16xi32>,
      tpu.vector_store %arg8[%swap3A_68], %add3A_67 {strides = array<i32>} : memref<224xi32, #tpu.memory_space<vmem>>, vector<16xi32>,
      %broadcast_in_dim3A_70 = arith.constant 0 : i32
      %broadcast_in_dim3A_71 = vector.broadcast %broadcast_in_dim3A_70 : i32 to vector<16xi32>
      %swap3A_72 = arith.constant 96 : index
      %swap3A_73 = tpu.vector_load %arg9[%swap3A_72] {strides = array<i32>} : memref<224xi32, #tpu.memory_space<vmem>>, vector<16xi32>,
      tpu.vector_store %arg9[%swap3A_72], %broadcast_in_dim3A_71 {strides = array<i32>} : memref<224xi32, #tpu.memory_space<vmem>>, vector<16xi32>,
      %broadcast_in_dim3A_74 = arith.constant 0 : i32
      %broadcast_in_dim3A_75 = vector.broadcast %broadcast_in_dim3A_74 : i32 to vector<16xi32>
      %add3A_76 = vector.broadcast %cond3A : i32 to vector<16xi32>
      %add3A_77 = arith.addi %broadcast_in_dim3A_75, %add3A_76 : vector<16xi32>
      %swap3A_78 = arith.constant 112 : index
      %swap3A_79 = tpu.vector_load %arg8[%swap3A_78] {strides = array<i32>} : memref<224xi32, #tpu.memory_space<vmem>>, vector<16xi32>,
      tpu.vector_store %arg8[%swap3A_78], %add3A_77 {strides = array<i32>} : memref<224xi32, #tpu.memory_space<vmem>>, vector<16xi32>,
      %broadcast_in_dim3A_80 = arith.constant 0 : i32
      %broadcast_in_dim3A_81 = vector.broadcast %broadcast_in_dim3A_80 : i32 to vector<16xi32>
      %swap3A_82 = arith.constant 112 : index
      %swap3A_83 = tpu.vector_load %arg9[%swap3A_82] {strides = array<i32>} : memref<224xi32, #tpu.memory_space<vmem>>, vector<16xi32>,
      tpu.vector_store %arg9[%swap3A_82], %broadcast_in_dim3A_81 {strides = array<i32>} : memref<224xi32, #tpu.memory_space<vmem>>, vector<16xi32>,
      %broadcast_in_dim3A_84 = arith.constant 0 : i32
      %broadcast_in_dim3A_85 = vector.broadcast %broadcast_in_dim3A_84 : i32 to vector<16xi32>
      %add3A_86 = vector.broadcast %cond3A : i32 to vector<16xi32>
      %add3A_87 = arith.addi %broadcast_in_dim3A_85, %add3A_86 : vector<16xi32>
      %swap3A_88 = arith.constant 128 : index
      %swap3A_89 = tpu.vector_load %arg8[%swap3A_88] {strides = array<i32>} : memref<224xi32, #tpu.memory_space<vmem>>, vector<16xi32>,
      tpu.vector_store %arg8[%swap3A_88], %add3A_87 {strides = array<i32>} : memref<224xi32, #tpu.memory_space<vmem>>, vector<16xi32>,
      %broadcast_in_dim3A_90 = arith.constant 0 : i32
      %broadcast_in_dim3A_91 = vector.broadcast %broadcast_in_dim3A_90 : i32 to vector<16xi32>
      %swap3A_92 = arith.constant 128 : index
      %swap3A_93 = tpu.vector_load %arg9[%swap3A_92] {strides = array<i32>} : memref<224xi32, #tpu.memory_space<vmem>>, vector<16xi32>,
      tpu.vector_store %arg9[%swap3A_92], %broadcast_in_dim3A_91 {strides = array<i32>} : memref<224xi32, #tpu.memory_space<vmem>>, vector<16xi32>,
      %broadcast_in_dim3A_94 = arith.constant 0 : i32
      %broadcast_in_dim3A_95 = vector.broadcast %broadcast_in_dim3A_94 : i32 to vector<16xi32>
      %add3A_96 = vector.broadcast %cond3A : i32 to vector<16xi32>
      %add3A_97 = arith.addi %broadcast_in_dim3A_95, %add3A_96 : vector<16xi32>
      %swap3A_98 = arith.constant 144 : index
      %swap3A_99 = tpu.vector_load %arg8[%swap3A_98] {strides = array<i32>} : memref<224xi32, #tpu.memory_space<vmem>>, vector<16xi32>,
      tpu.vector_store %arg8[%swap3A_98], %add3A_97 {strides = array<i32>} : memref<224xi32, #tpu.memory_space<vmem>>, vector<16xi32>,
      %broadcast_in_dim3A_100 = arith.constant 0 : i32
      %broadcast_in_dim3A_101 = vector.broadcast %broadcast_in_dim3A_100 : i32 to vector<16xi32>
      %swap3A_102 = arith.constant 144 : index
      %swap3A_103 = tpu.vector_load %arg9[%swap3A_102] {strides = array<i32>} : memref<224xi32, #tpu.memory_space<vmem>>, vector<16xi32>,
      tpu.vector_store %arg9[%swap3A_102], %broadcast_in_dim3A_101 {strides = array<i32>} : memref<224xi32, #tpu.memory_space<vmem>>, vector<16xi32>,
      %broadcast_in_dim3A_104 = arith.constant 0 : i32
      %broadcast_in_dim3A_105 = vector.broadcast %broadcast_in_dim3A_104 : i32 to vector<16xi32>
      %add3A_106 = vector.broadcast %cond3A : i32 to vector<16xi32>
      %add3A_107 = arith.addi %broadcast_in_dim3A_105, %add3A_106 : vector<16xi32>
      %swap3A_108 = arith.constant 160 : index
      %swap3A_109 = tpu.vector_load %arg8[%swap3A_108] {strides = array<i32>} : memref<224xi32, #tpu.memory_space<vmem>>, vector<16xi32>,
      tpu.vector_store %arg8[%swap3A_108], %add3A_107 {strides = array<i32>} : memref<224xi32, #tpu.memory_space<vmem>>, vector<16xi32>,
      %broadcast_in_dim3A_110 = arith.constant 0 : i32
      %broadcast_in_dim3A_111 = vector.broadcast %broadcast_in_dim3A_110 : i32 to vector<16xi32>
      %swap3A_112 = arith.constant 160 : index
      %swap3A_113 = tpu.vector_load %arg9[%swap3A_112] {strides = array<i32>} : memref<224xi32, #tpu.memory_space<vmem>>, vector<16xi32>,
      tpu.vector_store %arg9[%swap3A_112], %broadcast_in_dim3A_111 {strides = array<i32>} : memref<224xi32, #tpu.memory_space<vmem>>, vector<16xi32>,
      %broadcast_in_dim3A_114 = arith.constant 0 : i32
      %broadcast_in_dim3A_115 = vector.broadcast %broadcast_in_dim3A_114 : i32 to vector<16xi32>
      %add3A_116 = vector.broadcast %cond3A : i32 to vector<16xi32>
      %add3A_117 = arith.addi %broadcast_in_dim3A_115, %add3A_116 : vector<16xi32>
      %swap3A_118 = arith.constant 176 : index
      %swap3A_119 = tpu.vector_load %arg8[%swap3A_118] {strides = array<i32>} : memref<224xi32, #tpu.memory_space<vmem>>, vector<16xi32>,
      tpu.vector_store %arg8[%swap3A_118], %add3A_117 {strides = array<i32>} : memref<224xi32, #tpu.memory_space<vmem>>, vector<16xi32>,
      %broadcast_in_dim3A_120 = arith.constant 0 : i32
      %broadcast_in_dim3A_121 = vector.broadcast %broadcast_in_dim3A_120 : i32 to vector<16xi32>
      %swap3A_122 = arith.constant 176 : index
      %swap3A_123 = tpu.vector_load %arg9[%swap3A_122] {strides = array<i32>} : memref<224xi32, #tpu.memory_space<vmem>>, vector<16xi32>,
      tpu.vector_store %arg9[%swap3A_122], %broadcast_in_dim3A_121 {strides = array<i32>} : memref<224xi32, #tpu.memory_space<vmem>>, vector<16xi32>,
      %broadcast_in_dim3A_124 = arith.constant 0 : i32
      %broadcast_in_dim3A_125 = vector.broadcast %broadcast_in_dim3A_124 : i32 to vector<16xi32>
      %add3A_126 = vector.broadcast %cond3A : i32 to vector<16xi32>
      %add3A_127 = arith.addi %broadcast_in_dim3A_125, %add3A_126 : vector<16xi32>
      %swap3A_128 = arith.constant 192 : index
      %swap3A_129 = tpu.vector_load %arg8[%swap3A_128] {strides = array<i32>} : memref<224xi32, #tpu.memory_space<vmem>>, vector<16xi32>,
      tpu.vector_store %arg8[%swap3A_128], %add3A_127 {strides = array<i32>} : memref<224xi32, #tpu.memory_space<vmem>>, vector<16xi32>,
      %broadcast_in_dim3A_130 = arith.constant 0 : i32
      %broadcast_in_dim3A_131 = vector.broadcast %broadcast_in_dim3A_130 : i32 to vector<16xi32>
      %swap3A_132 = arith.constant 192 : index
      %swap3A_133 = tpu.vector_load %arg9[%swap3A_132] {strides = array<i32>} : memref<224xi32, #tpu.memory_space<vmem>>, vector<16xi32>,
      tpu.vector_store %arg9[%swap3A_132], %broadcast_in_dim3A_131 {strides = array<i32>} : memref<224xi32, #tpu.memory_space<vmem>>, vector<16xi32>,
      %broadcast_in_dim3A_134 = arith.constant 0 : i32
      %broadcast_in_dim3A_135 = vector.broadcast %broadcast_in_dim3A_134 : i32 to vector<16xi32>
      %add3A_136 = vector.broadcast %cond3A : i32 to vector<16xi32>
      %add3A_137 = arith.addi %broadcast_in_dim3A_135, %add3A_136 : vector<16xi32>
      %swap3A_138 = arith.constant 208 : index
      %swap3A_139 = tpu.vector_load %arg8[%swap3A_138] {strides = array<i32>} : memref<224xi32, #tpu.memory_space<vmem>>, vector<16xi32>,
      tpu.vector_store %arg8[%swap3A_138], %add3A_137 {strides = array<i32>} : memref<224xi32, #tpu.memory_space<vmem>>, vector<16xi32>,
      %broadcast_in_dim3A_140 = arith.constant 0 : i32
      %broadcast_in_dim3A_141 = vector.broadcast %broadcast_in_dim3A_140 : i32 to vector<16xi32>
      %swap3A_142 = arith.constant 208 : index
      %swap3A_143 = tpu.vector_load %arg9[%swap3A_142] {strides = array<i32>} : memref<224xi32, #tpu.memory_space<vmem>>, vector<16xi32>,
      tpu.vector_store %arg9[%swap3A_142], %broadcast_in_dim3A_141 {strides = array<i32>} : memref<224xi32, #tpu.memory_space<vmem>>, vector<16xi32>,
      %scan3A = arith.constant 0 : i32
      %scan3A_144 = arith.constant 0 : i32
      %scan3A_145 = arith.constant 0 : i32
      %scan3A_146 = arith.constant 1256 : i32
      %scan3A_147 = arith.addi %scan3A_145, %scan3A_146 : i32
      %scan3A_148 = arith.constant 1 : i32
      %scan3A_149:2 = scf.for %scan3A_663 = %scan3A_145 to %scan3A_147 step %scan3A_148 iter_args(%scan3A_664 = %scan3A, %scan3A_665 = %scan3A_144) -> (i32, i32)  : i32 {
        %mul3A_666 = arith.constant 16 : i32
        %mul3A_667 = arith.muli %scan3A_663, %mul3A_666 : i32
        %get3A_668 = arith.index_cast %mul3A_667 : i32 to index
        %get3A_669 = tpu.vector_load %arg6[%get3A_668] {strides = array<i32>} : memref<20096xf32, #tpu.memory_space<vmem>>, vector<16xf32>,
        %bitcast3A = vector.bitcast %get3A_669 : vector<16xf32> to vector<16xi32>
        %mul3A_670 = arith.constant 16 : i32
        %mul3A_671 = arith.muli %scan3A_663, %mul3A_670 : i32
        %add3A_672 = vector.broadcast %mul3A_671 : i32 to vector<16xi32>
        %add3A_673 = arith.addi %add3A_672, %iota3A : vector<16xi32>
        %gt3A = vector.broadcast %squeeze3A : i32 to vector<16xi32>
        %gt3A_674 = arith.cmpi sgt, %bitcast3A, %gt3A : vector<16xi32>
        %eq3A = vector.broadcast %squeeze3A : i32 to vector<16xi32>
        %eq3A_675 = arith.cmpi eq, %bitcast3A, %eq3A : vector<16xi32>
        %swap3A_676 = arith.index_cast %scan3A_664 : i32 to index
        %swap3A_677 = tpu.vector_load %arg8[%swap3A_676] masked %gt3A_674 {strides = array<i32>} : memref<224xi32, #tpu.memory_space<vmem>>, vector<16xi32>, vector<16xi1>
        tpu.vector_store %arg8[%swap3A_676], %bitcast3A masked %gt3A_674 {strides = array<i32>} : memref<224xi32, #tpu.memory_space<vmem>>, vector<16xi32>, vector<16xi1>
        %swap3A_678 = arith.index_cast %scan3A_664 : i32 to index
        %swap3A_679 = tpu.vector_load %arg9[%swap3A_678] masked %gt3A_674 {strides = array<i32>} : memref<224xi32, #tpu.memory_space<vmem>>, vector<16xi32>, vector<16xi1>
        tpu.vector_store %arg9[%swap3A_678], %add3A_673 masked %gt3A_674 {strides = array<i32>} : memref<224xi32, #tpu.memory_space<vmem>>, vector<16xi32>, vector<16xi1>
        %swap3A_680 = arith.index_cast %scan3A_665 : i32 to index
        %swap3A_681 = tpu.vector_load %arg10[%swap3A_680] masked %eq3A_675 {strides = array<i32>} : memref<20096xi32, #tpu.memory_space<vmem>>, vector<16xi32>, vector<16xi1>
        tpu.vector_store %arg10[%swap3A_680], %add3A_673 masked %eq3A_675 {strides = array<i32>} : memref<20096xi32, #tpu.memory_space<vmem>>, vector<16xi32>, vector<16xi1>
        %all_reduce_population_count3A = tpu.all_reduce %gt3A_674 {dim = 0 : i64, kind = #tpu.reduction_kind<sum>} : vector<16xi1> -> vector<16xi32>
        %slice3A_682 = vector.extract_strided_slice %all_reduce_population_count3A {offsets = [0], sizes = [1], strides = [1]} : vector<16xi32> to vector<1xi32>
        %squeeze3A_683 = vector.extract %slice3A_682[0] : i32 from vector<1xi32>
        %add3A_684 = arith.addi %scan3A_664, %squeeze3A_683 : i32
        %all_reduce_population_count3A_685 = tpu.all_reduce %eq3A_675 {dim = 0 : i64, kind = #tpu.reduction_kind<sum>} : vector<16xi1> -> vector<16xi32>
        %slice3A_686 = vector.extract_strided_slice %all_reduce_population_count3A_685 {offsets = [0], sizes = [1], strides = [1]} : vector<16xi32> to vector<1xi32>
        %squeeze3A_687 = vector.extract %slice3A_686[0] : i32 from vector<1xi32>
        %add3A_688 = arith.addi %scan3A_665, %squeeze3A_687 : i32
        scf.yield %add3A_684, %add3A_688 : i32, i32
      }
      %scan3A_150 = arith.constant 1256 : i32
      %get3A_151 = arith.constant 0 : index
      %get3A_152 = tpu.vector_load %arg8[%get3A_151] {strides = array<i32>} : memref<224xi32, #tpu.memory_space<vmem>>, vector<16xi32>,
      %get3A_153 = arith.constant 16 : index
      %get3A_154 = tpu.vector_load %arg8[%get3A_153] {strides = array<i32>} : memref<224xi32, #tpu.memory_space<vmem>>, vector<16xi32>,
      %get3A_155 = arith.constant 32 : index
      %get3A_156 = tpu.vector_load %arg8[%get3A_155] {strides = array<i32>} : memref<224xi32, #tpu.memory_space<vmem>>, vector<16xi32>,
      %get3A_157 = arith.constant 48 : index
      %get3A_158 = tpu.vector_load %arg8[%get3A_157] {strides = array<i32>} : memref<224xi32, #tpu.memory_space<vmem>>, vector<16xi32>,
      %get3A_159 = arith.constant 64 : index
      %get3A_160 = tpu.vector_load %arg8[%get3A_159] {strides = array<i32>} : memref<224xi32, #tpu.memory_space<vmem>>, vector<16xi32>,
      %get3A_161 = arith.constant 80 : index
      %get3A_162 = tpu.vector_load %arg8[%get3A_161] {strides = array<i32>} : memref<224xi32, #tpu.memory_space<vmem>>, vector<16xi32>,
      %get3A_163 = arith.constant 96 : index
      %get3A_164 = tpu.vector_load %arg8[%get3A_163] {strides = array<i32>} : memref<224xi32, #tpu.memory_space<vmem>>, vector<16xi32>,
      %get3A_165 = arith.constant 112 : index
      %get3A_166 = tpu.vector_load %arg8[%get3A_165] {strides = array<i32>} : memref<224xi32, #tpu.memory_space<vmem>>, vector<16xi32>,
      %get3A_167 = arith.constant 128 : index
      %get3A_168 = tpu.vector_load %arg8[%get3A_167] {strides = array<i32>} : memref<224xi32, #tpu.memory_space<vmem>>, vector<16xi32>,
      %get3A_169 = arith.constant 144 : index
      %get3A_170 = tpu.vector_load %arg8[%get3A_169] {strides = array<i32>} : memref<224xi32, #tpu.memory_space<vmem>>, vector<16xi32>,
      %get3A_171 = arith.constant 160 : index
      %get3A_172 = tpu.vector_load %arg8[%get3A_171] {strides = array<i32>} : memref<224xi32, #tpu.memory_space<vmem>>, vector<16xi32>,
      %get3A_173 = arith.constant 176 : index
      %get3A_174 = tpu.vector_load %arg8[%get3A_173] {strides = array<i32>} : memref<224xi32, #tpu.memory_space<vmem>>, vector<16xi32>,
      %get3A_175 = arith.constant 192 : index
      %get3A_176 = tpu.vector_load %arg8[%get3A_175] {strides = array<i32>} : memref<224xi32, #tpu.memory_space<vmem>>, vector<16xi32>,
      %get3A_177 = arith.constant 0 : index
      %get3A_178 = tpu.vector_load %arg9[%get3A_177] {strides = array<i32>} : memref<224xi32, #tpu.memory_space<vmem>>, vector<16xi32>,
      %get3A_179 = arith.constant 16 : index
      %get3A_180 = tpu.vector_load %arg9[%get3A_179] {strides = array<i32>} : memref<224xi32, #tpu.memory_space<vmem>>, vector<16xi32>,
      %get3A_181 = arith.constant 32 : index
      %get3A_182 = tpu.vector_load %arg9[%get3A_181] {strides = array<i32>} : memref<224xi32, #tpu.memory_space<vmem>>, vector<16xi32>,
      %get3A_183 = arith.constant 48 : index
      %get3A_184 = tpu.vector_load %arg9[%get3A_183] {strides = array<i32>} : memref<224xi32, #tpu.memory_space<vmem>>, vector<16xi32>,
      %get3A_185 = arith.constant 64 : index
      %get3A_186 = tpu.vector_load %arg9[%get3A_185] {strides = array<i32>} : memref<224xi32, #tpu.memory_space<vmem>>, vector<16xi32>,
      %get3A_187 = arith.constant 80 : index
      %get3A_188 = tpu.vector_load %arg9[%get3A_187] {strides = array<i32>} : memref<224xi32, #tpu.memory_space<vmem>>, vector<16xi32>,
      %get3A_189 = arith.constant 96 : index
      %get3A_190 = tpu.vector_load %arg9[%get3A_189] {strides = array<i32>} : memref<224xi32, #tpu.memory_space<vmem>>, vector<16xi32>,
      %get3A_191 = arith.constant 112 : index
      %get3A_192 = tpu.vector_load %arg9[%get3A_191] {strides = array<i32>} : memref<224xi32, #tpu.memory_space<vmem>>, vector<16xi32>,
      %get3A_193 = arith.constant 128 : index
      %get3A_194 = tpu.vector_load %arg9[%get3A_193] {strides = array<i32>} : memref<224xi32, #tpu.memory_space<vmem>>, vector<16xi32>,
      %get3A_195 = arith.constant 144 : index
      %get3A_196 = tpu.vector_load %arg9[%get3A_195] {strides = array<i32>} : memref<224xi32, #tpu.memory_space<vmem>>, vector<16xi32>,
      %get3A_197 = arith.constant 160 : index
      %get3A_198 = tpu.vector_load %arg9[%get3A_197] {strides = array<i32>} : memref<224xi32, #tpu.memory_space<vmem>>, vector<16xi32>,
      %get3A_199 = arith.constant 176 : index
      %get3A_200 = tpu.vector_load %arg9[%get3A_199] {strides = array<i32>} : memref<224xi32, #tpu.memory_space<vmem>>, vector<16xi32>,
      %get3A_201 = arith.constant 192 : index
      %get3A_202 = tpu.vector_load %arg9[%get3A_201] {strides = array<i32>} : memref<224xi32, #tpu.memory_space<vmem>>, vector<16xi32>,
      %broadcast_in_dim3A_203 = arith.constant 0 : i32
      %broadcast_in_dim3A_204 = vector.broadcast %broadcast_in_dim3A_203 : i32 to vector<16xi32>
      %scan3A_205 = arith.constant 0 : i32
      %scan3A_206 = arith.constant 200 : i32
      %scan3A_207 = arith.addi %scan3A_205, %scan3A_206 : i32
      %scan3A_208 = arith.constant 1 : i32
      %scan3A_209:14 = scf.for %scan3A_663 = %scan3A_205 to %scan3A_207 step %scan3A_208 iter_args(%scan3A_664 = %get3A_152, %scan3A_665 = %get3A_154, %scan3A_666 = %get3A_156, %scan3A_667 = %get3A_158, %scan3A_668 = %get3A_160, %scan3A_669 = %get3A_162, %scan3A_670 = %get3A_164, %scan3A_671 = %get3A_166, %scan3A_672 = %get3A_168, %scan3A_673 = %get3A_170, %scan3A_674 = %get3A_172, %scan3A_675 = %get3A_174, %scan3A_676 = %get3A_176, %scan3A_677 = %broadcast_in_dim3A_204) -> (vector<16xi32>, vector<16xi32>, vector<16xi32>, vector<16xi32>, vector<16xi32>, vector<16xi32>, vector<16xi32>, vector<16xi32>, vector<16xi32>, vector<16xi32>, vector<16xi32>, vector<16xi32>, vector<16xi32>, vector<16xi32>)  : i32 {
        %max3A_678 = arith.maxsi %scan3A_664, %scan3A_665 : vector<16xi32>
        %max3A_679 = arith.maxsi %scan3A_666, %scan3A_667 : vector<16xi32>
        %max3A_680 = arith.maxsi %scan3A_668, %scan3A_669 : vector<16xi32>
        %max3A_681 = arith.maxsi %scan3A_670, %scan3A_671 : vector<16xi32>
        %max3A_682 = arith.maxsi %scan3A_672, %scan3A_673 : vector<16xi32>
        %max3A_683 = arith.maxsi %scan3A_674, %scan3A_675 : vector<16xi32>
        %max3A_684 = arith.maxsi %max3A_678, %max3A_679 : vector<16xi32>
        %max3A_685 = arith.maxsi %max3A_680, %max3A_681 : vector<16xi32>
        %max3A_686 = arith.maxsi %max3A_682, %max3A_683 : vector<16xi32>
        %max3A_687 = arith.maxsi %max3A_684, %max3A_685 : vector<16xi32>
        %max3A_688 = arith.maxsi %max3A_686, %scan3A_676 : vector<16xi32>
        %max3A_689 = arith.maxsi %max3A_687, %max3A_688 : vector<16xi32>
        %reduce_max3A = arith.constant true
        %reduce_max3A_690 = vector.broadcast %reduce_max3A : i1 to vector<16xi1>
        %reduce_max3A_691 = arith.constant -2147483648 : i32
        %reduce_max3A_692 = vector.broadcast %reduce_max3A_691 : i32 to vector<16xi32>
        %reduce_max3A_693 = arith.xori %max3A_689, %reduce_max3A_692 : vector<16xi32>
        %reduce_max3A_694 = tpu.scan <max>, %reduce_max3A_693 masked %reduce_max3A_690 : vector<16xi32>, vector<16xi1> -> vector<16xi32>
        %reduce_max3A_695 = arith.xori %reduce_max3A_694, %reduce_max3A_692 : vector<16xi32>
        %reduce_max3A_696 = vector.extract %reduce_max3A_695[15] : i32 from vector<16xi32>
        %eq3A = vector.broadcast %reduce_max3A_696 : i32 to vector<16xi32>
        %eq3A_697 = arith.cmpi eq, %scan3A_664, %eq3A : vector<16xi32>
        %broadcast_in_dim3A_698 = vector.broadcast %cond3A_2 : i32 to vector<16xi32>
        %select_n3A = arith.select %eq3A_697, %get3A_178, %broadcast_in_dim3A_698 : vector<16xi1>, vector<16xi32>
        %eq3A_699 = vector.broadcast %reduce_max3A_696 : i32 to vector<16xi32>
        %eq3A_700 = arith.cmpi eq, %scan3A_665, %eq3A_699 : vector<16xi32>
        %broadcast_in_dim3A_701 = vector.broadcast %cond3A_2 : i32 to vector<16xi32>
        %select_n3A_702 = arith.select %eq3A_700, %get3A_180, %broadcast_in_dim3A_701 : vector<16xi1>, vector<16xi32>
        %eq3A_703 = vector.broadcast %reduce_max3A_696 : i32 to vector<16xi32>
        %eq3A_704 = arith.cmpi eq, %scan3A_666, %eq3A_703 : vector<16xi32>
        %broadcast_in_dim3A_705 = vector.broadcast %cond3A_2 : i32 to vector<16xi32>
        %select_n3A_706 = arith.select %eq3A_704, %get3A_182, %broadcast_in_dim3A_705 : vector<16xi1>, vector<16xi32>
        %eq3A_707 = vector.broadcast %reduce_max3A_696 : i32 to vector<16xi32>
        %eq3A_708 = arith.cmpi eq, %scan3A_667, %eq3A_707 : vector<16xi32>
        %broadcast_in_dim3A_709 = vector.broadcast %cond3A_2 : i32 to vector<16xi32>
        %select_n3A_710 = arith.select %eq3A_708, %get3A_184, %broadcast_in_dim3A_709 : vector<16xi1>, vector<16xi32>
        %eq3A_711 = vector.broadcast %reduce_max3A_696 : i32 to vector<16xi32>
        %eq3A_712 = arith.cmpi eq, %scan3A_668, %eq3A_711 : vector<16xi32>
        %broadcast_in_dim3A_713 = vector.broadcast %cond3A_2 : i32 to vector<16xi32>
        %select_n3A_714 = arith.select %eq3A_712, %get3A_186, %broadcast_in_dim3A_713 : vector<16xi1>, vector<16xi32>
        %eq3A_715 = vector.broadcast %reduce_max3A_696 : i32 to vector<16xi32>
        %eq3A_716 = arith.cmpi eq, %scan3A_669, %eq3A_715 : vector<16xi32>
        %broadcast_in_dim3A_717 = vector.broadcast %cond3A_2 : i32 to vector<16xi32>
        %select_n3A_718 = arith.select %eq3A_716, %get3A_188, %broadcast_in_dim3A_717 : vector<16xi1>, vector<16xi32>
        %eq3A_719 = vector.broadcast %reduce_max3A_696 : i32 to vector<16xi32>
        %eq3A_720 = arith.cmpi eq, %scan3A_670, %eq3A_719 : vector<16xi32>
        %broadcast_in_dim3A_721 = vector.broadcast %cond3A_2 : i32 to vector<16xi32>
        %select_n3A_722 = arith.select %eq3A_720, %get3A_190, %broadcast_in_dim3A_721 : vector<16xi1>, vector<16xi32>
        %eq3A_723 = vector.broadcast %reduce_max3A_696 : i32 to vector<16xi32>
        %eq3A_724 = arith.cmpi eq, %scan3A_671, %eq3A_723 : vector<16xi32>
        %broadcast_in_dim3A_725 = vector.broadcast %cond3A_2 : i32 to vector<16xi32>
        %select_n3A_726 = arith.select %eq3A_724, %get3A_192, %broadcast_in_dim3A_725 : vector<16xi1>, vector<16xi32>
        %eq3A_727 = vector.broadcast %reduce_max3A_696 : i32 to vector<16xi32>
        %eq3A_728 = arith.cmpi eq, %scan3A_672, %eq3A_727 : vector<16xi32>
        %broadcast_in_dim3A_729 = vector.broadcast %cond3A_2 : i32 to vector<16xi32>
        %select_n3A_730 = arith.select %eq3A_728, %get3A_194, %broadcast_in_dim3A_729 : vector<16xi1>, vector<16xi32>
        %eq3A_731 = vector.broadcast %reduce_max3A_696 : i32 to vector<16xi32>
        %eq3A_732 = arith.cmpi eq, %scan3A_673, %eq3A_731 : vector<16xi32>
        %broadcast_in_dim3A_733 = vector.broadcast %cond3A_2 : i32 to vector<16xi32>
        %select_n3A_734 = arith.select %eq3A_732, %get3A_196, %broadcast_in_dim3A_733 : vector<16xi1>, vector<16xi32>
        %eq3A_735 = vector.broadcast %reduce_max3A_696 : i32 to vector<16xi32>
        %eq3A_736 = arith.cmpi eq, %scan3A_674, %eq3A_735 : vector<16xi32>
        %broadcast_in_dim3A_737 = vector.broadcast %cond3A_2 : i32 to vector<16xi32>
        %select_n3A_738 = arith.select %eq3A_736, %get3A_198, %broadcast_in_dim3A_737 : vector<16xi1>, vector<16xi32>
        %eq3A_739 = vector.broadcast %reduce_max3A_696 : i32 to vector<16xi32>
        %eq3A_740 = arith.cmpi eq, %scan3A_675, %eq3A_739 : vector<16xi32>
        %broadcast_in_dim3A_741 = vector.broadcast %cond3A_2 : i32 to vector<16xi32>
        %select_n3A_742 = arith.select %eq3A_740, %get3A_200, %broadcast_in_dim3A_741 : vector<16xi1>, vector<16xi32>
        %eq3A_743 = vector.broadcast %reduce_max3A_696 : i32 to vector<16xi32>
        %eq3A_744 = arith.cmpi eq, %scan3A_676, %eq3A_743 : vector<16xi32>
        %broadcast_in_dim3A_745 = vector.broadcast %cond3A_2 : i32 to vector<16xi32>
        %select_n3A_746 = arith.select %eq3A_744, %get3A_202, %broadcast_in_dim3A_745 : vector<16xi1>, vector<16xi32>
        %min3A_747 = arith.minsi %select_n3A, %select_n3A_702 : vector<16xi32>
        %min3A_748 = arith.minsi %select_n3A_706, %select_n3A_710 : vector<16xi32>
        %min3A_749 = arith.minsi %select_n3A_714, %select_n3A_718 : vector<16xi32>
        %min3A_750 = arith.minsi %select_n3A_722, %select_n3A_726 : vector<16xi32>
        %min3A_751 = arith.minsi %select_n3A_730, %select_n3A_734 : vector<16xi32>
        %min3A_752 = arith.minsi %select_n3A_738, %select_n3A_742 : vector<16xi32>
        %min3A_753 = arith.minsi %min3A_747, %min3A_748 : vector<16xi32>
        %min3A_754 = arith.minsi %min3A_749, %min3A_750 : vector<16xi32>
        %min3A_755 = arith.minsi %min3A_751, %min3A_752 : vector<16xi32>
        %min3A_756 = arith.minsi %min3A_753, %min3A_754 : vector<16xi32>
        %min3A_757 = arith.minsi %min3A_755, %select_n3A_746 : vector<16xi32>
        %min3A_758 = arith.minsi %min3A_756, %min3A_757 : vector<16xi32>
        %reduce_min3A = arith.constant true
        %reduce_min3A_759 = vector.broadcast %reduce_min3A : i1 to vector<16xi1>
        %reduce_min3A_760 = arith.constant -2147483648 : i32
        %reduce_min3A_761 = vector.broadcast %reduce_min3A_760 : i32 to vector<16xi32>
        %reduce_min3A_762 = arith.xori %min3A_758, %reduce_min3A_761 : vector<16xi32>
        %reduce_min3A_763 = tpu.scan <min>, %reduce_min3A_762 masked %reduce_min3A_759 : vector<16xi32>, vector<16xi1> -> vector<16xi32>
        %reduce_min3A_764 = arith.xori %reduce_min3A_763, %reduce_min3A_761 : vector<16xi32>
        %reduce_min3A_765 = vector.extract %reduce_min3A_764[15] : i32 from vector<16xi32>
        %eq3A_766 = vector.broadcast %reduce_max3A_696 : i32 to vector<16xi32>
        %eq3A_767 = arith.cmpi eq, %scan3A_664, %eq3A_766 : vector<16xi32>
        %eq3A_768 = vector.broadcast %reduce_min3A_765 : i32 to vector<16xi32>
        %eq3A_769 = arith.cmpi eq, %get3A_178, %eq3A_768 : vector<16xi32>
        %and3A_770 = arith.andi %eq3A_767, %eq3A_769 : vector<16xi1>
        %broadcast_in_dim3A_771 = vector.broadcast %cond3A : i32 to vector<16xi32>
        %select_n3A_772 = arith.select %and3A_770, %broadcast_in_dim3A_771, %scan3A_664 : vector<16xi1>, vector<16xi32>
        %eq3A_773 = vector.broadcast %reduce_max3A_696 : i32 to vector<16xi32>
        %eq3A_774 = arith.cmpi eq, %scan3A_665, %eq3A_773 : vector<16xi32>
        %eq3A_775 = vector.broadcast %reduce_min3A_765 : i32 to vector<16xi32>
        %eq3A_776 = arith.cmpi eq, %get3A_180, %eq3A_775 : vector<16xi32>
        %and3A_777 = arith.andi %eq3A_774, %eq3A_776 : vector<16xi1>
        %broadcast_in_dim3A_778 = vector.broadcast %cond3A : i32 to vector<16xi32>
        %select_n3A_779 = arith.select %and3A_777, %broadcast_in_dim3A_778, %scan3A_665 : vector<16xi1>, vector<16xi32>
        %eq3A_780 = vector.broadcast %reduce_max3A_696 : i32 to vector<16xi32>
        %eq3A_781 = arith.cmpi eq, %scan3A_666, %eq3A_780 : vector<16xi32>
        %eq3A_782 = vector.broadcast %reduce_min3A_765 : i32 to vector<16xi32>
        %eq3A_783 = arith.cmpi eq, %get3A_182, %eq3A_782 : vector<16xi32>
        %and3A_784 = arith.andi %eq3A_781, %eq3A_783 : vector<16xi1>
        %broadcast_in_dim3A_785 = vector.broadcast %cond3A : i32 to vector<16xi32>
        %select_n3A_786 = arith.select %and3A_784, %broadcast_in_dim3A_785, %scan3A_666 : vector<16xi1>, vector<16xi32>
        %eq3A_787 = vector.broadcast %reduce_max3A_696 : i32 to vector<16xi32>
        %eq3A_788 = arith.cmpi eq, %scan3A_667, %eq3A_787 : vector<16xi32>
        %eq3A_789 = vector.broadcast %reduce_min3A_765 : i32 to vector<16xi32>
        %eq3A_790 = arith.cmpi eq, %get3A_184, %eq3A_789 : vector<16xi32>
        %and3A_791 = arith.andi %eq3A_788, %eq3A_790 : vector<16xi1>
        %broadcast_in_dim3A_792 = vector.broadcast %cond3A : i32 to vector<16xi32>
        %select_n3A_793 = arith.select %and3A_791, %broadcast_in_dim3A_792, %scan3A_667 : vector<16xi1>, vector<16xi32>
        %eq3A_794 = vector.broadcast %reduce_max3A_696 : i32 to vector<16xi32>
        %eq3A_795 = arith.cmpi eq, %scan3A_668, %eq3A_794 : vector<16xi32>
        %eq3A_796 = vector.broadcast %reduce_min3A_765 : i32 to vector<16xi32>
        %eq3A_797 = arith.cmpi eq, %get3A_186, %eq3A_796 : vector<16xi32>
        %and3A_798 = arith.andi %eq3A_795, %eq3A_797 : vector<16xi1>
        %broadcast_in_dim3A_799 = vector.broadcast %cond3A : i32 to vector<16xi32>
        %select_n3A_800 = arith.select %and3A_798, %broadcast_in_dim3A_799, %scan3A_668 : vector<16xi1>, vector<16xi32>
        %eq3A_801 = vector.broadcast %reduce_max3A_696 : i32 to vector<16xi32>
        %eq3A_802 = arith.cmpi eq, %scan3A_669, %eq3A_801 : vector<16xi32>
        %eq3A_803 = vector.broadcast %reduce_min3A_765 : i32 to vector<16xi32>
        %eq3A_804 = arith.cmpi eq, %get3A_188, %eq3A_803 : vector<16xi32>
        %and3A_805 = arith.andi %eq3A_802, %eq3A_804 : vector<16xi1>
        %broadcast_in_dim3A_806 = vector.broadcast %cond3A : i32 to vector<16xi32>
        %select_n3A_807 = arith.select %and3A_805, %broadcast_in_dim3A_806, %scan3A_669 : vector<16xi1>, vector<16xi32>
        %eq3A_808 = vector.broadcast %reduce_max3A_696 : i32 to vector<16xi32>
        %eq3A_809 = arith.cmpi eq, %scan3A_670, %eq3A_808 : vector<16xi32>
        %eq3A_810 = vector.broadcast %reduce_min3A_765 : i32 to vector<16xi32>
        %eq3A_811 = arith.cmpi eq, %get3A_190, %eq3A_810 : vector<16xi32>
        %and3A_812 = arith.andi %eq3A_809, %eq3A_811 : vector<16xi1>
        %broadcast_in_dim3A_813 = vector.broadcast %cond3A : i32 to vector<16xi32>
        %select_n3A_814 = arith.select %and3A_812, %broadcast_in_dim3A_813, %scan3A_670 : vector<16xi1>, vector<16xi32>
        %eq3A_815 = vector.broadcast %reduce_max3A_696 : i32 to vector<16xi32>
        %eq3A_816 = arith.cmpi eq, %scan3A_671, %eq3A_815 : vector<16xi32>
        %eq3A_817 = vector.broadcast %reduce_min3A_765 : i32 to vector<16xi32>
        %eq3A_818 = arith.cmpi eq, %get3A_192, %eq3A_817 : vector<16xi32>
        %and3A_819 = arith.andi %eq3A_816, %eq3A_818 : vector<16xi1>
        %broadcast_in_dim3A_820 = vector.broadcast %cond3A : i32 to vector<16xi32>
        %select_n3A_821 = arith.select %and3A_819, %broadcast_in_dim3A_820, %scan3A_671 : vector<16xi1>, vector<16xi32>
        %eq3A_822 = vector.broadcast %reduce_max3A_696 : i32 to vector<16xi32>
        %eq3A_823 = arith.cmpi eq, %scan3A_672, %eq3A_822 : vector<16xi32>
        %eq3A_824 = vector.broadcast %reduce_min3A_765 : i32 to vector<16xi32>
        %eq3A_825 = arith.cmpi eq, %get3A_194, %eq3A_824 : vector<16xi32>
        %and3A_826 = arith.andi %eq3A_823, %eq3A_825 : vector<16xi1>
        %broadcast_in_dim3A_827 = vector.broadcast %cond3A : i32 to vector<16xi32>
        %select_n3A_828 = arith.select %and3A_826, %broadcast_in_dim3A_827, %scan3A_672 : vector<16xi1>, vector<16xi32>
        %eq3A_829 = vector.broadcast %reduce_max3A_696 : i32 to vector<16xi32>
        %eq3A_830 = arith.cmpi eq, %scan3A_673, %eq3A_829 : vector<16xi32>
        %eq3A_831 = vector.broadcast %reduce_min3A_765 : i32 to vector<16xi32>
        %eq3A_832 = arith.cmpi eq, %get3A_196, %eq3A_831 : vector<16xi32>
        %and3A_833 = arith.andi %eq3A_830, %eq3A_832 : vector<16xi1>
        %broadcast_in_dim3A_834 = vector.broadcast %cond3A : i32 to vector<16xi32>
        %select_n3A_835 = arith.select %and3A_833, %broadcast_in_dim3A_834, %scan3A_673 : vector<16xi1>, vector<16xi32>
        %eq3A_836 = vector.broadcast %reduce_max3A_696 : i32 to vector<16xi32>
        %eq3A_837 = arith.cmpi eq, %scan3A_674, %eq3A_836 : vector<16xi32>
        %eq3A_838 = vector.broadcast %reduce_min3A_765 : i32 to vector<16xi32>
        %eq3A_839 = arith.cmpi eq, %get3A_198, %eq3A_838 : vector<16xi32>
        %and3A_840 = arith.andi %eq3A_837, %eq3A_839 : vector<16xi1>
        %broadcast_in_dim3A_841 = vector.broadcast %cond3A : i32 to vector<16xi32>
        %select_n3A_842 = arith.select %and3A_840, %broadcast_in_dim3A_841, %scan3A_674 : vector<16xi1>, vector<16xi32>
        %eq3A_843 = vector.broadcast %reduce_max3A_696 : i32 to vector<16xi32>
        %eq3A_844 = arith.cmpi eq, %scan3A_675, %eq3A_843 : vector<16xi32>
        %eq3A_845 = vector.broadcast %reduce_min3A_765 : i32 to vector<16xi32>
        %eq3A_846 = arith.cmpi eq, %get3A_200, %eq3A_845 : vector<16xi32>
        %and3A_847 = arith.andi %eq3A_844, %eq3A_846 : vector<16xi1>
        %broadcast_in_dim3A_848 = vector.broadcast %cond3A : i32 to vector<16xi32>
        %select_n3A_849 = arith.select %and3A_847, %broadcast_in_dim3A_848, %scan3A_675 : vector<16xi1>, vector<16xi32>
        %eq3A_850 = vector.broadcast %reduce_max3A_696 : i32 to vector<16xi32>
        %eq3A_851 = arith.cmpi eq, %scan3A_676, %eq3A_850 : vector<16xi32>
        %eq3A_852 = vector.broadcast %reduce_min3A_765 : i32 to vector<16xi32>
        %eq3A_853 = arith.cmpi eq, %get3A_202, %eq3A_852 : vector<16xi32>
        %and3A_854 = arith.andi %eq3A_851, %eq3A_853 : vector<16xi1>
        %broadcast_in_dim3A_855 = vector.broadcast %cond3A : i32 to vector<16xi32>
        %select_n3A_856 = arith.select %and3A_854, %broadcast_in_dim3A_855, %scan3A_676 : vector<16xi1>, vector<16xi32>
        %and3A_857 = arith.constant 15 : i32
        %and3A_858 = arith.andi %scan3A_663, %and3A_857 : i32
        %eq3A_859 = vector.broadcast %and3A_858 : i32 to vector<16xi32>
        %eq3A_860 = arith.cmpi eq, %iota3A, %eq3A_859 : vector<16xi32>
        %broadcast_in_dim3A_861 = vector.broadcast %reduce_min3A_765 : i32 to vector<16xi32>
        %select_n3A_862 = arith.select %eq3A_860, %broadcast_in_dim3A_861, %scan3A_677 : vector<16xi1>, vector<16xi32>
        %and3A_863 = arith.constant -16 : i32
        %and3A_864 = arith.andi %scan3A_663, %and3A_863 : i32
        %swap3A_865 = arith.index_cast %and3A_864 : i32 to index
        %swap3A_866 = tpu.vector_load %arg11[%swap3A_865] {strides = array<i32>} : memref<224xi32, #tpu.memory_space<vmem>>, vector<16xi32>,
        tpu.vector_store %arg11[%swap3A_865], %select_n3A_862 {strides = array<i32>} : memref<224xi32, #tpu.memory_space<vmem>>, vector<16xi32>,
        scf.yield %select_n3A_772, %select_n3A_779, %select_n3A_786, %select_n3A_793, %select_n3A_800, %select_n3A_807, %select_n3A_814, %select_n3A_821, %select_n3A_828, %select_n3A_835, %select_n3A_842, %select_n3A_849, %select_n3A_856, %select_n3A_862 : vector<16xi32>, vector<16xi32>, vector<16xi32>, vector<16xi32>, vector<16xi32>, vector<16xi32>, vector<16xi32>, vector<16xi32>, vector<16xi32>, vector<16xi32>, vector<16xi32>, vector<16xi32>, vector<16xi32>, vector<16xi32>
      }
      %scan3A_210 = arith.constant 200 : i32
      %add3A_211 = arith.constant 0 : i32
      %add3A_212 = arith.addi %scan3A_149#0, %add3A_211 : i32
      %lt3A_213 = arith.constant 208 : i32
      %lt3A_214 = arith.cmpi slt, %add3A_212, %lt3A_213 : i32
      %convert_element_type3A_215 = arith.extui %lt3A_214 : i1 to i32
      %cond3A_216 = arith.constant 0 : i32
      %cond3A_217 = arith.cmpi ne, %convert_element_type3A_215, %cond3A_216 : i32
      scf.if %cond3A_217 {
        %get3A_663 = arith.constant 0 : index
        %get3A_664 = tpu.vector_load %arg10[%get3A_663] {strides = array<i32>} : memref<20096xi32, #tpu.memory_space<vmem>>, vector<16xi32>,
        %add3A_665 = arith.constant 0 : i32
        %add3A_666 = arith.addi %scan3A_149#0, %add3A_665 : i32
        %swap3A_667 = arith.index_cast %add3A_666 : i32 to index
        %swap3A_668 = tpu.vector_load %arg11[%swap3A_667] {strides = array<i32>} : memref<224xi32, #tpu.memory_space<vmem>>, vector<16xi32>,
        tpu.vector_store %arg11[%swap3A_667], %get3A_664 {strides = array<i32>} : memref<224xi32, #tpu.memory_space<vmem>>, vector<16xi32>,
      } else {
      }
      %add3A_218 = arith.constant 16 : i32
      %add3A_219 = arith.addi %scan3A_149#0, %add3A_218 : i32
      %lt3A_220 = arith.constant 208 : i32
      %lt3A_221 = arith.cmpi slt, %add3A_219, %lt3A_220 : i32
      %convert_element_type3A_222 = arith.extui %lt3A_221 : i1 to i32
      %cond3A_223 = arith.constant 0 : i32
      %cond3A_224 = arith.cmpi ne, %convert_element_type3A_222, %cond3A_223 : i32
      scf.if %cond3A_224 {
        %get3A_663 = arith.constant 16 : index
        %get3A_664 = tpu.vector_load %arg10[%get3A_663] {strides = array<i32>} : memref<20096xi32, #tpu.memory_space<vmem>>, vector<16xi32>,
        %add3A_665 = arith.constant 16 : i32
        %add3A_666 = arith.addi %scan3A_149#0, %add3A_665 : i32
        %swap3A_667 = arith.index_cast %add3A_666 : i32 to index
        %swap3A_668 = tpu.vector_load %arg11[%swap3A_667] {strides = array<i32>} : memref<224xi32, #tpu.memory_space<vmem>>, vector<16xi32>,
        tpu.vector_store %arg11[%swap3A_667], %get3A_664 {strides = array<i32>} : memref<224xi32, #tpu.memory_space<vmem>>, vector<16xi32>,
      } else {
      }
      %add3A_225 = arith.constant 32 : i32
      %add3A_226 = arith.addi %scan3A_149#0, %add3A_225 : i32
      %lt3A_227 = arith.constant 208 : i32
      %lt3A_228 = arith.cmpi slt, %add3A_226, %lt3A_227 : i32
      %convert_element_type3A_229 = arith.extui %lt3A_228 : i1 to i32
      %cond3A_230 = arith.constant 0 : i32
      %cond3A_231 = arith.cmpi ne, %convert_element_type3A_229, %cond3A_230 : i32
      scf.if %cond3A_231 {
        %get3A_663 = arith.constant 32 : index
        %get3A_664 = tpu.vector_load %arg10[%get3A_663] {strides = array<i32>} : memref<20096xi32, #tpu.memory_space<vmem>>, vector<16xi32>,
        %add3A_665 = arith.constant 32 : i32
        %add3A_666 = arith.addi %scan3A_149#0, %add3A_665 : i32
        %swap3A_667 = arith.index_cast %add3A_666 : i32 to index
        %swap3A_668 = tpu.vector_load %arg11[%swap3A_667] {strides = array<i32>} : memref<224xi32, #tpu.memory_space<vmem>>, vector<16xi32>,
        tpu.vector_store %arg11[%swap3A_667], %get3A_664 {strides = array<i32>} : memref<224xi32, #tpu.memory_space<vmem>>, vector<16xi32>,
      } else {
      }
      %add3A_232 = arith.constant 48 : i32
      %add3A_233 = arith.addi %scan3A_149#0, %add3A_232 : i32
      %lt3A_234 = arith.constant 208 : i32
      %lt3A_235 = arith.cmpi slt, %add3A_233, %lt3A_234 : i32
      %convert_element_type3A_236 = arith.extui %lt3A_235 : i1 to i32
      %cond3A_237 = arith.constant 0 : i32
      %cond3A_238 = arith.cmpi ne, %convert_element_type3A_236, %cond3A_237 : i32
      scf.if %cond3A_238 {
        %get3A_663 = arith.constant 48 : index
        %get3A_664 = tpu.vector_load %arg10[%get3A_663] {strides = array<i32>} : memref<20096xi32, #tpu.memory_space<vmem>>, vector<16xi32>,
        %add3A_665 = arith.constant 48 : i32
        %add3A_666 = arith.addi %scan3A_149#0, %add3A_665 : i32
        %swap3A_667 = arith.index_cast %add3A_666 : i32 to index
        %swap3A_668 = tpu.vector_load %arg11[%swap3A_667] {strides = array<i32>} : memref<224xi32, #tpu.memory_space<vmem>>, vector<16xi32>,
        tpu.vector_store %arg11[%swap3A_667], %get3A_664 {strides = array<i32>} : memref<224xi32, #tpu.memory_space<vmem>>, vector<16xi32>,
      } else {
      }
      %add3A_239 = arith.constant 64 : i32
      %add3A_240 = arith.addi %scan3A_149#0, %add3A_239 : i32
      %lt3A_241 = arith.constant 208 : i32
      %lt3A_242 = arith.cmpi slt, %add3A_240, %lt3A_241 : i32
      %convert_element_type3A_243 = arith.extui %lt3A_242 : i1 to i32
      %cond3A_244 = arith.constant 0 : i32
      %cond3A_245 = arith.cmpi ne, %convert_element_type3A_243, %cond3A_244 : i32
      scf.if %cond3A_245 {
        %get3A_663 = arith.constant 64 : index
        %get3A_664 = tpu.vector_load %arg10[%get3A_663] {strides = array<i32>} : memref<20096xi32, #tpu.memory_space<vmem>>, vector<16xi32>,
        %add3A_665 = arith.constant 64 : i32
        %add3A_666 = arith.addi %scan3A_149#0, %add3A_665 : i32
        %swap3A_667 = arith.index_cast %add3A_666 : i32 to index
        %swap3A_668 = tpu.vector_load %arg11[%swap3A_667] {strides = array<i32>} : memref<224xi32, #tpu.memory_space<vmem>>, vector<16xi32>,
        tpu.vector_store %arg11[%swap3A_667], %get3A_664 {strides = array<i32>} : memref<224xi32, #tpu.memory_space<vmem>>, vector<16xi32>,
      } else {
      }
      %add3A_246 = arith.constant 80 : i32
      %add3A_247 = arith.addi %scan3A_149#0, %add3A_246 : i32
      %lt3A_248 = arith.constant 208 : i32
      %lt3A_249 = arith.cmpi slt, %add3A_247, %lt3A_248 : i32
      %convert_element_type3A_250 = arith.extui %lt3A_249 : i1 to i32
      %cond3A_251 = arith.constant 0 : i32
      %cond3A_252 = arith.cmpi ne, %convert_element_type3A_250, %cond3A_251 : i32
      scf.if %cond3A_252 {
        %get3A_663 = arith.constant 80 : index
        %get3A_664 = tpu.vector_load %arg10[%get3A_663] {strides = array<i32>} : memref<20096xi32, #tpu.memory_space<vmem>>, vector<16xi32>,
        %add3A_665 = arith.constant 80 : i32
        %add3A_666 = arith.addi %scan3A_149#0, %add3A_665 : i32
        %swap3A_667 = arith.index_cast %add3A_666 : i32 to index
        %swap3A_668 = tpu.vector_load %arg11[%swap3A_667] {strides = array<i32>} : memref<224xi32, #tpu.memory_space<vmem>>, vector<16xi32>,
        tpu.vector_store %arg11[%swap3A_667], %get3A_664 {strides = array<i32>} : memref<224xi32, #tpu.memory_space<vmem>>, vector<16xi32>,
      } else {
      }
      %add3A_253 = arith.constant 96 : i32
      %add3A_254 = arith.addi %scan3A_149#0, %add3A_253 : i32
      %lt3A_255 = arith.constant 208 : i32
      %lt3A_256 = arith.cmpi slt, %add3A_254, %lt3A_255 : i32
      %convert_element_type3A_257 = arith.extui %lt3A_256 : i1 to i32
      %cond3A_258 = arith.constant 0 : i32
      %cond3A_259 = arith.cmpi ne, %convert_element_type3A_257, %cond3A_258 : i32
      scf.if %cond3A_259 {
        %get3A_663 = arith.constant 96 : index
        %get3A_664 = tpu.vector_load %arg10[%get3A_663] {strides = array<i32>} : memref<20096xi32, #tpu.memory_space<vmem>>, vector<16xi32>,
        %add3A_665 = arith.constant 96 : i32
        %add3A_666 = arith.addi %scan3A_149#0, %add3A_665 : i32
        %swap3A_667 = arith.index_cast %add3A_666 : i32 to index
        %swap3A_668 = tpu.vector_load %arg11[%swap3A_667] {strides = array<i32>} : memref<224xi32, #tpu.memory_space<vmem>>, vector<16xi32>,
        tpu.vector_store %arg11[%swap3A_667], %get3A_664 {strides = array<i32>} : memref<224xi32, #tpu.memory_space<vmem>>, vector<16xi32>,
      } else {
      }
      %add3A_260 = arith.constant 112 : i32
      %add3A_261 = arith.addi %scan3A_149#0, %add3A_260 : i32
      %lt3A_262 = arith.constant 208 : i32
      %lt3A_263 = arith.cmpi slt, %add3A_261, %lt3A_262 : i32
      %convert_element_type3A_264 = arith.extui %lt3A_263 : i1 to i32
      %cond3A_265 = arith.constant 0 : i32
      %cond3A_266 = arith.cmpi ne, %convert_element_type3A_264, %cond3A_265 : i32
      scf.if %cond3A_266 {
        %get3A_663 = arith.constant 112 : index
        %get3A_664 = tpu.vector_load %arg10[%get3A_663] {strides = array<i32>} : memref<20096xi32, #tpu.memory_space<vmem>>, vector<16xi32>,
        %add3A_665 = arith.constant 112 : i32
        %add3A_666 = arith.addi %scan3A_149#0, %add3A_665 : i32
        %swap3A_667 = arith.index_cast %add3A_666 : i32 to index
        %swap3A_668 = tpu.vector_load %arg11[%swap3A_667] {strides = array<i32>} : memref<224xi32, #tpu.memory_space<vmem>>, vector<16xi32>,
        tpu.vector_store %arg11[%swap3A_667], %get3A_664 {strides = array<i32>} : memref<224xi32, #tpu.memory_space<vmem>>, vector<16xi32>,
      } else {
      }
      %add3A_267 = arith.constant 128 : i32
      %add3A_268 = arith.addi %scan3A_149#0, %add3A_267 : i32
      %lt3A_269 = arith.constant 208 : i32
      %lt3A_270 = arith.cmpi slt, %add3A_268, %lt3A_269 : i32
      %convert_element_type3A_271 = arith.extui %lt3A_270 : i1 to i32
      %cond3A_272 = arith.constant 0 : i32
      %cond3A_273 = arith.cmpi ne, %convert_element_type3A_271, %cond3A_272 : i32
      scf.if %cond3A_273 {
        %get3A_663 = arith.constant 128 : index
        %get3A_664 = tpu.vector_load %arg10[%get3A_663] {strides = array<i32>} : memref<20096xi32, #tpu.memory_space<vmem>>, vector<16xi32>,
        %add3A_665 = arith.constant 128 : i32
        %add3A_666 = arith.addi %scan3A_149#0, %add3A_665 : i32
        %swap3A_667 = arith.index_cast %add3A_666 : i32 to index
        %swap3A_668 = tpu.vector_load %arg11[%swap3A_667] {strides = array<i32>} : memref<224xi32, #tpu.memory_space<vmem>>, vector<16xi32>,
        tpu.vector_store %arg11[%swap3A_667], %get3A_664 {strides = array<i32>} : memref<224xi32, #tpu.memory_space<vmem>>, vector<16xi32>,
      } else {
      }
      %add3A_274 = arith.constant 144 : i32
      %add3A_275 = arith.addi %scan3A_149#0, %add3A_274 : i32
      %lt3A_276 = arith.constant 208 : i32
      %lt3A_277 = arith.cmpi slt, %add3A_275, %lt3A_276 : i32
      %convert_element_type3A_278 = arith.extui %lt3A_277 : i1 to i32
      %cond3A_279 = arith.constant 0 : i32
      %cond3A_280 = arith.cmpi ne, %convert_element_type3A_278, %cond3A_279 : i32
      scf.if %cond3A_280 {
        %get3A_663 = arith.constant 144 : index
        %get3A_664 = tpu.vector_load %arg10[%get3A_663] {strides = array<i32>} : memref<20096xi32, #tpu.memory_space<vmem>>, vector<16xi32>,
        %add3A_665 = arith.constant 144 : i32
        %add3A_666 = arith.addi %scan3A_149#0, %add3A_665 : i32
        %swap3A_667 = arith.index_cast %add3A_666 : i32 to index
        %swap3A_668 = tpu.vector_load %arg11[%swap3A_667] {strides = array<i32>} : memref<224xi32, #tpu.memory_space<vmem>>, vector<16xi32>,
        tpu.vector_store %arg11[%swap3A_667], %get3A_664 {strides = array<i32>} : memref<224xi32, #tpu.memory_space<vmem>>, vector<16xi32>,
      } else {
      }
      %add3A_281 = arith.constant 160 : i32
      %add3A_282 = arith.addi %scan3A_149#0, %add3A_281 : i32
      %lt3A_283 = arith.constant 208 : i32
      %lt3A_284 = arith.cmpi slt, %add3A_282, %lt3A_283 : i32
      %convert_element_type3A_285 = arith.extui %lt3A_284 : i1 to i32
      %cond3A_286 = arith.constant 0 : i32
      %cond3A_287 = arith.cmpi ne, %convert_element_type3A_285, %cond3A_286 : i32
      scf.if %cond3A_287 {
        %get3A_663 = arith.constant 160 : index
        %get3A_664 = tpu.vector_load %arg10[%get3A_663] {strides = array<i32>} : memref<20096xi32, #tpu.memory_space<vmem>>, vector<16xi32>,
        %add3A_665 = arith.constant 160 : i32
        %add3A_666 = arith.addi %scan3A_149#0, %add3A_665 : i32
        %swap3A_667 = arith.index_cast %add3A_666 : i32 to index
        %swap3A_668 = tpu.vector_load %arg11[%swap3A_667] {strides = array<i32>} : memref<224xi32, #tpu.memory_space<vmem>>, vector<16xi32>,
        tpu.vector_store %arg11[%swap3A_667], %get3A_664 {strides = array<i32>} : memref<224xi32, #tpu.memory_space<vmem>>, vector<16xi32>,
      } else {
      }
      %add3A_288 = arith.constant 176 : i32
      %add3A_289 = arith.addi %scan3A_149#0, %add3A_288 : i32
      %lt3A_290 = arith.constant 208 : i32
      %lt3A_291 = arith.cmpi slt, %add3A_289, %lt3A_290 : i32
      %convert_element_type3A_292 = arith.extui %lt3A_291 : i1 to i32
      %cond3A_293 = arith.constant 0 : i32
      %cond3A_294 = arith.cmpi ne, %convert_element_type3A_292, %cond3A_293 : i32
      scf.if %cond3A_294 {
        %get3A_663 = arith.constant 176 : index
        %get3A_664 = tpu.vector_load %arg10[%get3A_663] {strides = array<i32>} : memref<20096xi32, #tpu.memory_space<vmem>>, vector<16xi32>,
        %add3A_665 = arith.constant 176 : i32
        %add3A_666 = arith.addi %scan3A_149#0, %add3A_665 : i32
        %swap3A_667 = arith.index_cast %add3A_666 : i32 to index
        %swap3A_668 = tpu.vector_load %arg11[%swap3A_667] {strides = array<i32>} : memref<224xi32, #tpu.memory_space<vmem>>, vector<16xi32>,
        tpu.vector_store %arg11[%swap3A_667], %get3A_664 {strides = array<i32>} : memref<224xi32, #tpu.memory_space<vmem>>, vector<16xi32>,
      } else {
      }
      %add3A_295 = arith.constant 192 : i32
      %add3A_296 = arith.addi %scan3A_149#0, %add3A_295 : i32
      %lt3A_297 = arith.constant 208 : i32
      %lt3A_298 = arith.cmpi slt, %add3A_296, %lt3A_297 : i32
      %convert_element_type3A_299 = arith.extui %lt3A_298 : i1 to i32
      %cond3A_300 = arith.constant 0 : i32
      %cond3A_301 = arith.cmpi ne, %convert_element_type3A_299, %cond3A_300 : i32
      scf.if %cond3A_301 {
        %get3A_663 = arith.constant 192 : index
        %get3A_664 = tpu.vector_load %arg10[%get3A_663] {strides = array<i32>} : memref<20096xi32, #tpu.memory_space<vmem>>, vector<16xi32>,
        %add3A_665 = arith.constant 192 : i32
        %add3A_666 = arith.addi %scan3A_149#0, %add3A_665 : i32
        %swap3A_667 = arith.index_cast %add3A_666 : i32 to index
        %swap3A_668 = tpu.vector_load %arg11[%swap3A_667] {strides = array<i32>} : memref<224xi32, #tpu.memory_space<vmem>>, vector<16xi32>,
        tpu.vector_store %arg11[%swap3A_667], %get3A_664 {strides = array<i32>} : memref<224xi32, #tpu.memory_space<vmem>>, vector<16xi32>,
      } else {
      }
      %get3A_302 = arith.constant 0 : index
      %get3A_303 = tpu.vector_load %arg11[%get3A_302] {strides = array<i32>} : memref<224xi32, #tpu.memory_space<vmem>>, vector<16xi32>,
      %max3A = arith.constant 0 : i32
      %max3A_304 = vector.broadcast %max3A : i32 to vector<16xi32>
      %max3A_305 = arith.maxsi %get3A_303, %max3A_304 : vector<16xi32>
      %min3A = arith.constant 19999 : i32
      %min3A_306 = vector.broadcast %min3A : i32 to vector<16xi32>
      %min3A_307 = arith.minsi %max3A_305, %min3A_306 : vector<16xi32>
      %swap3A_308 = arith.constant 0 : index
      %swap3A_309 = tpu.vector_load %arg11[%swap3A_308] {strides = array<i32>} : memref<224xi32, #tpu.memory_space<vmem>>, vector<16xi32>,
      tpu.vector_store %arg11[%swap3A_308], %min3A_307 {strides = array<i32>} : memref<224xi32, #tpu.memory_space<vmem>>, vector<16xi32>,
      %mul3A_310 = arith.constant 1250 : i32
      %mul3A_311 = arith.muli %add3A, %mul3A_310 : i32
      %shift_right_logical3A = arith.constant 4 : i32
      %shift_right_logical3A_312 = vector.broadcast %shift_right_logical3A : i32 to vector<16xi32>
      %shift_right_logical3A_313 = arith.shrui %min3A_307, %shift_right_logical3A_312 : vector<16xi32>
      %add3A_314 = vector.broadcast %mul3A_311 : i32 to vector<16xi32>
      %add3A_315 = arith.addi %add3A_314, %shift_right_logical3A_313 : vector<16xi32>
      %and3A = arith.constant 15 : i32
      %and3A_316 = vector.broadcast %and3A : i32 to vector<16xi32>
      %and3A_317 = arith.andi %min3A_307, %and3A_316 : vector<16xi32>
      %swap3A_318 = arith.constant 0 : index
      %swap3A_319 = tpu.vector_load %arg12[%swap3A_318] {strides = array<i32>} : memref<224xi32, #tpu.memory_space<vmem>>, vector<16xi32>,
      tpu.vector_store %arg12[%swap3A_318], %and3A_317 {strides = array<i32>} : memref<224xi32, #tpu.memory_space<vmem>>, vector<16xi32>,
      %swap3A_320 = arith.constant 0 : index
      %swap3A_321 = tpu.vector_load %arg13[%swap3A_320] {strides = array<i32>} : memref<128xi32, #tpu.memory_space<vmem>>, vector<16xi32>,
      tpu.vector_store %arg13[%swap3A_320], %add3A_315 {strides = array<i32>} : memref<128xi32, #tpu.memory_space<vmem>>, vector<16xi32>,
      %get3A_322 = arith.constant 16 : index
      %get3A_323 = tpu.vector_load %arg11[%get3A_322] {strides = array<i32>} : memref<224xi32, #tpu.memory_space<vmem>>, vector<16xi32>,
      %max3A_324 = arith.constant 0 : i32
      %max3A_325 = vector.broadcast %max3A_324 : i32 to vector<16xi32>
      %max3A_326 = arith.maxsi %get3A_323, %max3A_325 : vector<16xi32>
      %min3A_327 = arith.constant 19999 : i32
      %min3A_328 = vector.broadcast %min3A_327 : i32 to vector<16xi32>
      %min3A_329 = arith.minsi %max3A_326, %min3A_328 : vector<16xi32>
      %swap3A_330 = arith.constant 16 : index
      %swap3A_331 = tpu.vector_load %arg11[%swap3A_330] {strides = array<i32>} : memref<224xi32, #tpu.memory_space<vmem>>, vector<16xi32>,
      tpu.vector_store %arg11[%swap3A_330], %min3A_329 {strides = array<i32>} : memref<224xi32, #tpu.memory_space<vmem>>, vector<16xi32>,
      %mul3A_332 = arith.constant 1250 : i32
      %mul3A_333 = arith.muli %add3A, %mul3A_332 : i32
      %shift_right_logical3A_334 = arith.constant 4 : i32
      %shift_right_logical3A_335 = vector.broadcast %shift_right_logical3A_334 : i32 to vector<16xi32>
      %shift_right_logical3A_336 = arith.shrui %min3A_329, %shift_right_logical3A_335 : vector<16xi32>
      %add3A_337 = vector.broadcast %mul3A_333 : i32 to vector<16xi32>
      %add3A_338 = arith.addi %add3A_337, %shift_right_logical3A_336 : vector<16xi32>
      %and3A_339 = arith.constant 15 : i32
      %and3A_340 = vector.broadcast %and3A_339 : i32 to vector<16xi32>
      %and3A_341 = arith.andi %min3A_329, %and3A_340 : vector<16xi32>
      %swap3A_342 = arith.constant 16 : index
      %swap3A_343 = tpu.vector_load %arg12[%swap3A_342] {strides = array<i32>} : memref<224xi32, #tpu.memory_space<vmem>>, vector<16xi32>,
      tpu.vector_store %arg12[%swap3A_342], %and3A_341 {strides = array<i32>} : memref<224xi32, #tpu.memory_space<vmem>>, vector<16xi32>,
      %swap3A_344 = arith.constant 16 : index
      %swap3A_345 = tpu.vector_load %arg13[%swap3A_344] {strides = array<i32>} : memref<128xi32, #tpu.memory_space<vmem>>, vector<16xi32>,
      tpu.vector_store %arg13[%swap3A_344], %add3A_338 {strides = array<i32>} : memref<128xi32, #tpu.memory_space<vmem>>, vector<16xi32>,
      %get3A_346 = arith.constant 32 : index
      %get3A_347 = tpu.vector_load %arg11[%get3A_346] {strides = array<i32>} : memref<224xi32, #tpu.memory_space<vmem>>, vector<16xi32>,
      %max3A_348 = arith.constant 0 : i32
      %max3A_349 = vector.broadcast %max3A_348 : i32 to vector<16xi32>
      %max3A_350 = arith.maxsi %get3A_347, %max3A_349 : vector<16xi32>
      %min3A_351 = arith.constant 19999 : i32
      %min3A_352 = vector.broadcast %min3A_351 : i32 to vector<16xi32>
      %min3A_353 = arith.minsi %max3A_350, %min3A_352 : vector<16xi32>
      %swap3A_354 = arith.constant 32 : index
      %swap3A_355 = tpu.vector_load %arg11[%swap3A_354] {strides = array<i32>} : memref<224xi32, #tpu.memory_space<vmem>>, vector<16xi32>,
      tpu.vector_store %arg11[%swap3A_354], %min3A_353 {strides = array<i32>} : memref<224xi32, #tpu.memory_space<vmem>>, vector<16xi32>,
      %mul3A_356 = arith.constant 1250 : i32
      %mul3A_357 = arith.muli %add3A, %mul3A_356 : i32
      %shift_right_logical3A_358 = arith.constant 4 : i32
      %shift_right_logical3A_359 = vector.broadcast %shift_right_logical3A_358 : i32 to vector<16xi32>
      %shift_right_logical3A_360 = arith.shrui %min3A_353, %shift_right_logical3A_359 : vector<16xi32>
      %add3A_361 = vector.broadcast %mul3A_357 : i32 to vector<16xi32>
      %add3A_362 = arith.addi %add3A_361, %shift_right_logical3A_360 : vector<16xi32>
      %and3A_363 = arith.constant 15 : i32
      %and3A_364 = vector.broadcast %and3A_363 : i32 to vector<16xi32>
      %and3A_365 = arith.andi %min3A_353, %and3A_364 : vector<16xi32>
      %swap3A_366 = arith.constant 32 : index
      %swap3A_367 = tpu.vector_load %arg12[%swap3A_366] {strides = array<i32>} : memref<224xi32, #tpu.memory_space<vmem>>, vector<16xi32>,
      tpu.vector_store %arg12[%swap3A_366], %and3A_365 {strides = array<i32>} : memref<224xi32, #tpu.memory_space<vmem>>, vector<16xi32>,
      %swap3A_368 = arith.constant 32 : index
      %swap3A_369 = tpu.vector_load %arg13[%swap3A_368] {strides = array<i32>} : memref<128xi32, #tpu.memory_space<vmem>>, vector<16xi32>,
      tpu.vector_store %arg13[%swap3A_368], %add3A_362 {strides = array<i32>} : memref<128xi32, #tpu.memory_space<vmem>>, vector<16xi32>,
      %get3A_370 = arith.constant 48 : index
      %get3A_371 = tpu.vector_load %arg11[%get3A_370] {strides = array<i32>} : memref<224xi32, #tpu.memory_space<vmem>>, vector<16xi32>,
      %max3A_372 = arith.constant 0 : i32
      %max3A_373 = vector.broadcast %max3A_372 : i32 to vector<16xi32>
      %max3A_374 = arith.maxsi %get3A_371, %max3A_373 : vector<16xi32>
      %min3A_375 = arith.constant 19999 : i32
      %min3A_376 = vector.broadcast %min3A_375 : i32 to vector<16xi32>
      %min3A_377 = arith.minsi %max3A_374, %min3A_376 : vector<16xi32>
      %swap3A_378 = arith.constant 48 : index
      %swap3A_379 = tpu.vector_load %arg11[%swap3A_378] {strides = array<i32>} : memref<224xi32, #tpu.memory_space<vmem>>, vector<16xi32>,
      tpu.vector_store %arg11[%swap3A_378], %min3A_377 {strides = array<i32>} : memref<224xi32, #tpu.memory_space<vmem>>, vector<16xi32>,
      %mul3A_380 = arith.constant 1250 : i32
      %mul3A_381 = arith.muli %add3A, %mul3A_380 : i32
      %shift_right_logical3A_382 = arith.constant 4 : i32
      %shift_right_logical3A_383 = vector.broadcast %shift_right_logical3A_382 : i32 to vector<16xi32>
      %shift_right_logical3A_384 = arith.shrui %min3A_377, %shift_right_logical3A_383 : vector<16xi32>
      %add3A_385 = vector.broadcast %mul3A_381 : i32 to vector<16xi32>
      %add3A_386 = arith.addi %add3A_385, %shift_right_logical3A_384 : vector<16xi32>
      %and3A_387 = arith.constant 15 : i32
      %and3A_388 = vector.broadcast %and3A_387 : i32 to vector<16xi32>
      %and3A_389 = arith.andi %min3A_377, %and3A_388 : vector<16xi32>
      %swap3A_390 = arith.constant 48 : index
      %swap3A_391 = tpu.vector_load %arg12[%swap3A_390] {strides = array<i32>} : memref<224xi32, #tpu.memory_space<vmem>>, vector<16xi32>,
      tpu.vector_store %arg12[%swap3A_390], %and3A_389 {strides = array<i32>} : memref<224xi32, #tpu.memory_space<vmem>>, vector<16xi32>,
      %swap3A_392 = arith.constant 48 : index
      %swap3A_393 = tpu.vector_load %arg13[%swap3A_392] {strides = array<i32>} : memref<128xi32, #tpu.memory_space<vmem>>, vector<16xi32>,
      tpu.vector_store %arg13[%swap3A_392], %add3A_386 {strides = array<i32>} : memref<128xi32, #tpu.memory_space<vmem>>, vector<16xi32>,
      %get3A_394 = arith.constant 64 : index
      %get3A_395 = tpu.vector_load %arg11[%get3A_394] {strides = array<i32>} : memref<224xi32, #tpu.memory_space<vmem>>, vector<16xi32>,
      %max3A_396 = arith.constant 0 : i32
      %max3A_397 = vector.broadcast %max3A_396 : i32 to vector<16xi32>
      %max3A_398 = arith.maxsi %get3A_395, %max3A_397 : vector<16xi32>
      %min3A_399 = arith.constant 19999 : i32
      %min3A_400 = vector.broadcast %min3A_399 : i32 to vector<16xi32>
      %min3A_401 = arith.minsi %max3A_398, %min3A_400 : vector<16xi32>
      %swap3A_402 = arith.constant 64 : index
      %swap3A_403 = tpu.vector_load %arg11[%swap3A_402] {strides = array<i32>} : memref<224xi32, #tpu.memory_space<vmem>>, vector<16xi32>,
      tpu.vector_store %arg11[%swap3A_402], %min3A_401 {strides = array<i32>} : memref<224xi32, #tpu.memory_space<vmem>>, vector<16xi32>,
      %mul3A_404 = arith.constant 1250 : i32
      %mul3A_405 = arith.muli %add3A, %mul3A_404 : i32
      %shift_right_logical3A_406 = arith.constant 4 : i32
      %shift_right_logical3A_407 = vector.broadcast %shift_right_logical3A_406 : i32 to vector<16xi32>
      %shift_right_logical3A_408 = arith.shrui %min3A_401, %shift_right_logical3A_407 : vector<16xi32>
      %add3A_409 = vector.broadcast %mul3A_405 : i32 to vector<16xi32>
      %add3A_410 = arith.addi %add3A_409, %shift_right_logical3A_408 : vector<16xi32>
      %and3A_411 = arith.constant 15 : i32
      %and3A_412 = vector.broadcast %and3A_411 : i32 to vector<16xi32>
      %and3A_413 = arith.andi %min3A_401, %and3A_412 : vector<16xi32>
      %swap3A_414 = arith.constant 64 : index
      %swap3A_415 = tpu.vector_load %arg12[%swap3A_414] {strides = array<i32>} : memref<224xi32, #tpu.memory_space<vmem>>, vector<16xi32>,
      tpu.vector_store %arg12[%swap3A_414], %and3A_413 {strides = array<i32>} : memref<224xi32, #tpu.memory_space<vmem>>, vector<16xi32>,
      %swap3A_416 = arith.constant 64 : index
      %swap3A_417 = tpu.vector_load %arg13[%swap3A_416] {strides = array<i32>} : memref<128xi32, #tpu.memory_space<vmem>>, vector<16xi32>,
      tpu.vector_store %arg13[%swap3A_416], %add3A_410 {strides = array<i32>} : memref<128xi32, #tpu.memory_space<vmem>>, vector<16xi32>,
      %get3A_418 = arith.constant 80 : index
      %get3A_419 = tpu.vector_load %arg11[%get3A_418] {strides = array<i32>} : memref<224xi32, #tpu.memory_space<vmem>>, vector<16xi32>,
      %max3A_420 = arith.constant 0 : i32
      %max3A_421 = vector.broadcast %max3A_420 : i32 to vector<16xi32>
      %max3A_422 = arith.maxsi %get3A_419, %max3A_421 : vector<16xi32>
      %min3A_423 = arith.constant 19999 : i32
      %min3A_424 = vector.broadcast %min3A_423 : i32 to vector<16xi32>
      %min3A_425 = arith.minsi %max3A_422, %min3A_424 : vector<16xi32>
      %swap3A_426 = arith.constant 80 : index
      %swap3A_427 = tpu.vector_load %arg11[%swap3A_426] {strides = array<i32>} : memref<224xi32, #tpu.memory_space<vmem>>, vector<16xi32>,
      tpu.vector_store %arg11[%swap3A_426], %min3A_425 {strides = array<i32>} : memref<224xi32, #tpu.memory_space<vmem>>, vector<16xi32>,
      %mul3A_428 = arith.constant 1250 : i32
      %mul3A_429 = arith.muli %add3A, %mul3A_428 : i32
      %shift_right_logical3A_430 = arith.constant 4 : i32
      %shift_right_logical3A_431 = vector.broadcast %shift_right_logical3A_430 : i32 to vector<16xi32>
      %shift_right_logical3A_432 = arith.shrui %min3A_425, %shift_right_logical3A_431 : vector<16xi32>
      %add3A_433 = vector.broadcast %mul3A_429 : i32 to vector<16xi32>
      %add3A_434 = arith.addi %add3A_433, %shift_right_logical3A_432 : vector<16xi32>
      %and3A_435 = arith.constant 15 : i32
      %and3A_436 = vector.broadcast %and3A_435 : i32 to vector<16xi32>
      %and3A_437 = arith.andi %min3A_425, %and3A_436 : vector<16xi32>
      %swap3A_438 = arith.constant 80 : index
      %swap3A_439 = tpu.vector_load %arg12[%swap3A_438] {strides = array<i32>} : memref<224xi32, #tpu.memory_space<vmem>>, vector<16xi32>,
      tpu.vector_store %arg12[%swap3A_438], %and3A_437 {strides = array<i32>} : memref<224xi32, #tpu.memory_space<vmem>>, vector<16xi32>,
      %swap3A_440 = arith.constant 80 : index
      %swap3A_441 = tpu.vector_load %arg13[%swap3A_440] {strides = array<i32>} : memref<128xi32, #tpu.memory_space<vmem>>, vector<16xi32>,
      tpu.vector_store %arg13[%swap3A_440], %add3A_434 {strides = array<i32>} : memref<128xi32, #tpu.memory_space<vmem>>, vector<16xi32>,
      %get3A_442 = arith.constant 96 : index
      %get3A_443 = tpu.vector_load %arg11[%get3A_442] {strides = array<i32>} : memref<224xi32, #tpu.memory_space<vmem>>, vector<16xi32>,
      %max3A_444 = arith.constant 0 : i32
      %max3A_445 = vector.broadcast %max3A_444 : i32 to vector<16xi32>
      %max3A_446 = arith.maxsi %get3A_443, %max3A_445 : vector<16xi32>
      %min3A_447 = arith.constant 19999 : i32
      %min3A_448 = vector.broadcast %min3A_447 : i32 to vector<16xi32>
      %min3A_449 = arith.minsi %max3A_446, %min3A_448 : vector<16xi32>
      %swap3A_450 = arith.constant 96 : index
      %swap3A_451 = tpu.vector_load %arg11[%swap3A_450] {strides = array<i32>} : memref<224xi32, #tpu.memory_space<vmem>>, vector<16xi32>,
      tpu.vector_store %arg11[%swap3A_450], %min3A_449 {strides = array<i32>} : memref<224xi32, #tpu.memory_space<vmem>>, vector<16xi32>,
      %mul3A_452 = arith.constant 1250 : i32
      %mul3A_453 = arith.muli %add3A, %mul3A_452 : i32
      %shift_right_logical3A_454 = arith.constant 4 : i32
      %shift_right_logical3A_455 = vector.broadcast %shift_right_logical3A_454 : i32 to vector<16xi32>
      %shift_right_logical3A_456 = arith.shrui %min3A_449, %shift_right_logical3A_455 : vector<16xi32>
      %add3A_457 = vector.broadcast %mul3A_453 : i32 to vector<16xi32>
      %add3A_458 = arith.addi %add3A_457, %shift_right_logical3A_456 : vector<16xi32>
      %and3A_459 = arith.constant 15 : i32
      %and3A_460 = vector.broadcast %and3A_459 : i32 to vector<16xi32>
      %and3A_461 = arith.andi %min3A_449, %and3A_460 : vector<16xi32>
      %swap3A_462 = arith.constant 96 : index
      %swap3A_463 = tpu.vector_load %arg12[%swap3A_462] {strides = array<i32>} : memref<224xi32, #tpu.memory_space<vmem>>, vector<16xi32>,
      tpu.vector_store %arg12[%swap3A_462], %and3A_461 {strides = array<i32>} : memref<224xi32, #tpu.memory_space<vmem>>, vector<16xi32>,
      %swap3A_464 = arith.constant 96 : index
      %swap3A_465 = tpu.vector_load %arg13[%swap3A_464] {strides = array<i32>} : memref<128xi32, #tpu.memory_space<vmem>>, vector<16xi32>,
      tpu.vector_store %arg13[%swap3A_464], %add3A_458 {strides = array<i32>} : memref<128xi32, #tpu.memory_space<vmem>>, vector<16xi32>,
      %get3A_466 = arith.constant 112 : index
      %get3A_467 = tpu.vector_load %arg11[%get3A_466] {strides = array<i32>} : memref<224xi32, #tpu.memory_space<vmem>>, vector<16xi32>,
      %max3A_468 = arith.constant 0 : i32
      %max3A_469 = vector.broadcast %max3A_468 : i32 to vector<16xi32>
      %max3A_470 = arith.maxsi %get3A_467, %max3A_469 : vector<16xi32>
      %min3A_471 = arith.constant 19999 : i32
      %min3A_472 = vector.broadcast %min3A_471 : i32 to vector<16xi32>
      %min3A_473 = arith.minsi %max3A_470, %min3A_472 : vector<16xi32>
      %swap3A_474 = arith.constant 112 : index
      %swap3A_475 = tpu.vector_load %arg11[%swap3A_474] {strides = array<i32>} : memref<224xi32, #tpu.memory_space<vmem>>, vector<16xi32>,
      tpu.vector_store %arg11[%swap3A_474], %min3A_473 {strides = array<i32>} : memref<224xi32, #tpu.memory_space<vmem>>, vector<16xi32>,
      %mul3A_476 = arith.constant 1250 : i32
      %mul3A_477 = arith.muli %add3A, %mul3A_476 : i32
      %shift_right_logical3A_478 = arith.constant 4 : i32
      %shift_right_logical3A_479 = vector.broadcast %shift_right_logical3A_478 : i32 to vector<16xi32>
      %shift_right_logical3A_480 = arith.shrui %min3A_473, %shift_right_logical3A_479 : vector<16xi32>
      %add3A_481 = vector.broadcast %mul3A_477 : i32 to vector<16xi32>
      %add3A_482 = arith.addi %add3A_481, %shift_right_logical3A_480 : vector<16xi32>
      %and3A_483 = arith.constant 15 : i32
      %and3A_484 = vector.broadcast %and3A_483 : i32 to vector<16xi32>
      %and3A_485 = arith.andi %min3A_473, %and3A_484 : vector<16xi32>
      %swap3A_486 = arith.constant 112 : index
      %swap3A_487 = tpu.vector_load %arg12[%swap3A_486] {strides = array<i32>} : memref<224xi32, #tpu.memory_space<vmem>>, vector<16xi32>,
      tpu.vector_store %arg12[%swap3A_486], %and3A_485 {strides = array<i32>} : memref<224xi32, #tpu.memory_space<vmem>>, vector<16xi32>,
      %swap3A_488 = arith.constant 112 : index
      %swap3A_489 = tpu.vector_load %arg13[%swap3A_488] {strides = array<i32>} : memref<128xi32, #tpu.memory_space<vmem>>, vector<16xi32>,
      tpu.vector_store %arg13[%swap3A_488], %add3A_482 {strides = array<i32>} : memref<128xi32, #tpu.memory_space<vmem>>, vector<16xi32>,
      %get3A_490 = arith.constant 128 : index
      %get3A_491 = tpu.vector_load %arg11[%get3A_490] {strides = array<i32>} : memref<224xi32, #tpu.memory_space<vmem>>, vector<16xi32>,
      %max3A_492 = arith.constant 0 : i32
      %max3A_493 = vector.broadcast %max3A_492 : i32 to vector<16xi32>
      %max3A_494 = arith.maxsi %get3A_491, %max3A_493 : vector<16xi32>
      %min3A_495 = arith.constant 19999 : i32
      %min3A_496 = vector.broadcast %min3A_495 : i32 to vector<16xi32>
      %min3A_497 = arith.minsi %max3A_494, %min3A_496 : vector<16xi32>
      %swap3A_498 = arith.constant 128 : index
      %swap3A_499 = tpu.vector_load %arg11[%swap3A_498] {strides = array<i32>} : memref<224xi32, #tpu.memory_space<vmem>>, vector<16xi32>,
      tpu.vector_store %arg11[%swap3A_498], %min3A_497 {strides = array<i32>} : memref<224xi32, #tpu.memory_space<vmem>>, vector<16xi32>,
      %mul3A_500 = arith.constant 1250 : i32
      %mul3A_501 = arith.muli %add3A, %mul3A_500 : i32
      %shift_right_logical3A_502 = arith.constant 4 : i32
      %shift_right_logical3A_503 = vector.broadcast %shift_right_logical3A_502 : i32 to vector<16xi32>
      %shift_right_logical3A_504 = arith.shrui %min3A_497, %shift_right_logical3A_503 : vector<16xi32>
      %add3A_505 = vector.broadcast %mul3A_501 : i32 to vector<16xi32>
      %add3A_506 = arith.addi %add3A_505, %shift_right_logical3A_504 : vector<16xi32>
      %and3A_507 = arith.constant 15 : i32
      %and3A_508 = vector.broadcast %and3A_507 : i32 to vector<16xi32>
      %and3A_509 = arith.andi %min3A_497, %and3A_508 : vector<16xi32>
      %swap3A_510 = arith.constant 128 : index
      %swap3A_511 = tpu.vector_load %arg12[%swap3A_510] {strides = array<i32>} : memref<224xi32, #tpu.memory_space<vmem>>, vector<16xi32>,
      tpu.vector_store %arg12[%swap3A_510], %and3A_509 {strides = array<i32>} : memref<224xi32, #tpu.memory_space<vmem>>, vector<16xi32>,
      %swap3A_512 = arith.constant 0 : index
      %swap3A_513 = tpu.vector_load %arg14[%swap3A_512] {strides = array<i32>} : memref<96xi32, #tpu.memory_space<vmem>>, vector<16xi32>,
      tpu.vector_store %arg14[%swap3A_512], %add3A_506 {strides = array<i32>} : memref<96xi32, #tpu.memory_space<vmem>>, vector<16xi32>,
      %get3A_514 = arith.constant 144 : index
      %get3A_515 = tpu.vector_load %arg11[%get3A_514] {strides = array<i32>} : memref<224xi32, #tpu.memory_space<vmem>>, vector<16xi32>,
      %max3A_516 = arith.constant 0 : i32
      %max3A_517 = vector.broadcast %max3A_516 : i32 to vector<16xi32>
      %max3A_518 = arith.maxsi %get3A_515, %max3A_517 : vector<16xi32>
      %min3A_519 = arith.constant 19999 : i32
      %min3A_520 = vector.broadcast %min3A_519 : i32 to vector<16xi32>
      %min3A_521 = arith.minsi %max3A_518, %min3A_520 : vector<16xi32>
      %swap3A_522 = arith.constant 144 : index
      %swap3A_523 = tpu.vector_load %arg11[%swap3A_522] {strides = array<i32>} : memref<224xi32, #tpu.memory_space<vmem>>, vector<16xi32>,
      tpu.vector_store %arg11[%swap3A_522], %min3A_521 {strides = array<i32>} : memref<224xi32, #tpu.memory_space<vmem>>, vector<16xi32>,
      %mul3A_524 = arith.constant 1250 : i32
      %mul3A_525 = arith.muli %add3A, %mul3A_524 : i32
      %shift_right_logical3A_526 = arith.constant 4 : i32
      %shift_right_logical3A_527 = vector.broadcast %shift_right_logical3A_526 : i32 to vector<16xi32>
      %shift_right_logical3A_528 = arith.shrui %min3A_521, %shift_right_logical3A_527 : vector<16xi32>
      %add3A_529 = vector.broadcast %mul3A_525 : i32 to vector<16xi32>
      %add3A_530 = arith.addi %add3A_529, %shift_right_logical3A_528 : vector<16xi32>
      %and3A_531 = arith.constant 15 : i32
      %and3A_532 = vector.broadcast %and3A_531 : i32 to vector<16xi32>
      %and3A_533 = arith.andi %min3A_521, %and3A_532 : vector<16xi32>
      %swap3A_534 = arith.constant 144 : index
      %swap3A_535 = tpu.vector_load %arg12[%swap3A_534] {strides = array<i32>} : memref<224xi32, #tpu.memory_space<vmem>>, vector<16xi32>,
      tpu.vector_store %arg12[%swap3A_534], %and3A_533 {strides = array<i32>} : memref<224xi32, #tpu.memory_space<vmem>>, vector<16xi32>,
      %swap3A_536 = arith.constant 16 : index
      %swap3A_537 = tpu.vector_load %arg14[%swap3A_536] {strides = array<i32>} : memref<96xi32, #tpu.memory_space<vmem>>, vector<16xi32>,
      tpu.vector_store %arg14[%swap3A_536], %add3A_530 {strides = array<i32>} : memref<96xi32, #tpu.memory_space<vmem>>, vector<16xi32>,
      %get3A_538 = arith.constant 160 : index
      %get3A_539 = tpu.vector_load %arg11[%get3A_538] {strides = array<i32>} : memref<224xi32, #tpu.memory_space<vmem>>, vector<16xi32>,
      %max3A_540 = arith.constant 0 : i32
      %max3A_541 = vector.broadcast %max3A_540 : i32 to vector<16xi32>
      %max3A_542 = arith.maxsi %get3A_539, %max3A_541 : vector<16xi32>
      %min3A_543 = arith.constant 19999 : i32
      %min3A_544 = vector.broadcast %min3A_543 : i32 to vector<16xi32>
      %min3A_545 = arith.minsi %max3A_542, %min3A_544 : vector<16xi32>
      %swap3A_546 = arith.constant 160 : index
      %swap3A_547 = tpu.vector_load %arg11[%swap3A_546] {strides = array<i32>} : memref<224xi32, #tpu.memory_space<vmem>>, vector<16xi32>,
      tpu.vector_store %arg11[%swap3A_546], %min3A_545 {strides = array<i32>} : memref<224xi32, #tpu.memory_space<vmem>>, vector<16xi32>,
      %mul3A_548 = arith.constant 1250 : i32
      %mul3A_549 = arith.muli %add3A, %mul3A_548 : i32
      %shift_right_logical3A_550 = arith.constant 4 : i32
      %shift_right_logical3A_551 = vector.broadcast %shift_right_logical3A_550 : i32 to vector<16xi32>
      %shift_right_logical3A_552 = arith.shrui %min3A_545, %shift_right_logical3A_551 : vector<16xi32>
      %add3A_553 = vector.broadcast %mul3A_549 : i32 to vector<16xi32>
      %add3A_554 = arith.addi %add3A_553, %shift_right_logical3A_552 : vector<16xi32>
      %and3A_555 = arith.constant 15 : i32
      %and3A_556 = vector.broadcast %and3A_555 : i32 to vector<16xi32>
      %and3A_557 = arith.andi %min3A_545, %and3A_556 : vector<16xi32>
      %swap3A_558 = arith.constant 160 : index
      %swap3A_559 = tpu.vector_load %arg12[%swap3A_558] {strides = array<i32>} : memref<224xi32, #tpu.memory_space<vmem>>, vector<16xi32>,
      tpu.vector_store %arg12[%swap3A_558], %and3A_557 {strides = array<i32>} : memref<224xi32, #tpu.memory_space<vmem>>, vector<16xi32>,
      %swap3A_560 = arith.constant 32 : index
      %swap3A_561 = tpu.vector_load %arg14[%swap3A_560] {strides = array<i32>} : memref<96xi32, #tpu.memory_space<vmem>>, vector<16xi32>,
      tpu.vector_store %arg14[%swap3A_560], %add3A_554 {strides = array<i32>} : memref<96xi32, #tpu.memory_space<vmem>>, vector<16xi32>,
      %get3A_562 = arith.constant 176 : index
      %get3A_563 = tpu.vector_load %arg11[%get3A_562] {strides = array<i32>} : memref<224xi32, #tpu.memory_space<vmem>>, vector<16xi32>,
      %max3A_564 = arith.constant 0 : i32
      %max3A_565 = vector.broadcast %max3A_564 : i32 to vector<16xi32>
      %max3A_566 = arith.maxsi %get3A_563, %max3A_565 : vector<16xi32>
      %min3A_567 = arith.constant 19999 : i32
      %min3A_568 = vector.broadcast %min3A_567 : i32 to vector<16xi32>
      %min3A_569 = arith.minsi %max3A_566, %min3A_568 : vector<16xi32>
      %swap3A_570 = arith.constant 176 : index
      %swap3A_571 = tpu.vector_load %arg11[%swap3A_570] {strides = array<i32>} : memref<224xi32, #tpu.memory_space<vmem>>, vector<16xi32>,
      tpu.vector_store %arg11[%swap3A_570], %min3A_569 {strides = array<i32>} : memref<224xi32, #tpu.memory_space<vmem>>, vector<16xi32>,
      %mul3A_572 = arith.constant 1250 : i32
      %mul3A_573 = arith.muli %add3A, %mul3A_572 : i32
      %shift_right_logical3A_574 = arith.constant 4 : i32
      %shift_right_logical3A_575 = vector.broadcast %shift_right_logical3A_574 : i32 to vector<16xi32>
      %shift_right_logical3A_576 = arith.shrui %min3A_569, %shift_right_logical3A_575 : vector<16xi32>
      %add3A_577 = vector.broadcast %mul3A_573 : i32 to vector<16xi32>
      %add3A_578 = arith.addi %add3A_577, %shift_right_logical3A_576 : vector<16xi32>
      %and3A_579 = arith.constant 15 : i32
      %and3A_580 = vector.broadcast %and3A_579 : i32 to vector<16xi32>
      %and3A_581 = arith.andi %min3A_569, %and3A_580 : vector<16xi32>
      %swap3A_582 = arith.constant 176 : index
      %swap3A_583 = tpu.vector_load %arg12[%swap3A_582] {strides = array<i32>} : memref<224xi32, #tpu.memory_space<vmem>>, vector<16xi32>,
      tpu.vector_store %arg12[%swap3A_582], %and3A_581 {strides = array<i32>} : memref<224xi32, #tpu.memory_space<vmem>>, vector<16xi32>,
      %swap3A_584 = arith.constant 48 : index
      %swap3A_585 = tpu.vector_load %arg14[%swap3A_584] {strides = array<i32>} : memref<96xi32, #tpu.memory_space<vmem>>, vector<16xi32>,
      tpu.vector_store %arg14[%swap3A_584], %add3A_578 {strides = array<i32>} : memref<96xi32, #tpu.memory_space<vmem>>, vector<16xi32>,
      %get3A_586 = arith.constant 192 : index
      %get3A_587 = tpu.vector_load %arg11[%get3A_586] {strides = array<i32>} : memref<224xi32, #tpu.memory_space<vmem>>, vector<16xi32>,
      %max3A_588 = arith.constant 0 : i32
      %max3A_589 = vector.broadcast %max3A_588 : i32 to vector<16xi32>
      %max3A_590 = arith.maxsi %get3A_587, %max3A_589 : vector<16xi32>
      %min3A_591 = arith.constant 19999 : i32
      %min3A_592 = vector.broadcast %min3A_591 : i32 to vector<16xi32>
      %min3A_593 = arith.minsi %max3A_590, %min3A_592 : vector<16xi32>
      %swap3A_594 = arith.constant 192 : index
      %swap3A_595 = tpu.vector_load %arg11[%swap3A_594] {strides = array<i32>} : memref<224xi32, #tpu.memory_space<vmem>>, vector<16xi32>,
      tpu.vector_store %arg11[%swap3A_594], %min3A_593 {strides = array<i32>} : memref<224xi32, #tpu.memory_space<vmem>>, vector<16xi32>,
      %mul3A_596 = arith.constant 1250 : i32
      %mul3A_597 = arith.muli %add3A, %mul3A_596 : i32
      %shift_right_logical3A_598 = arith.constant 4 : i32
      %shift_right_logical3A_599 = vector.broadcast %shift_right_logical3A_598 : i32 to vector<16xi32>
      %shift_right_logical3A_600 = arith.shrui %min3A_593, %shift_right_logical3A_599 : vector<16xi32>
      %add3A_601 = vector.broadcast %mul3A_597 : i32 to vector<16xi32>
      %add3A_602 = arith.addi %add3A_601, %shift_right_logical3A_600 : vector<16xi32>
      %and3A_603 = arith.constant 15 : i32
      %and3A_604 = vector.broadcast %and3A_603 : i32 to vector<16xi32>
      %and3A_605 = arith.andi %min3A_593, %and3A_604 : vector<16xi32>
      %swap3A_606 = arith.constant 192 : index
      %swap3A_607 = tpu.vector_load %arg12[%swap3A_606] {strides = array<i32>} : memref<224xi32, #tpu.memory_space<vmem>>, vector<16xi32>,
      tpu.vector_store %arg12[%swap3A_606], %and3A_605 {strides = array<i32>} : memref<224xi32, #tpu.memory_space<vmem>>, vector<16xi32>,
      %swap3A_608 = arith.constant 64 : index
      %swap3A_609 = tpu.vector_load %arg14[%swap3A_608] {strides = array<i32>} : memref<96xi32, #tpu.memory_space<vmem>>, vector<16xi32>,
      tpu.vector_store %arg14[%swap3A_608], %add3A_602 {strides = array<i32>} : memref<96xi32, #tpu.memory_space<vmem>>, vector<16xi32>,
      %get3A_610 = arith.constant 208 : index
      %get3A_611 = tpu.vector_load %arg11[%get3A_610] {strides = array<i32>} : memref<224xi32, #tpu.memory_space<vmem>>, vector<16xi32>,
      %max3A_612 = arith.constant 0 : i32
      %max3A_613 = vector.broadcast %max3A_612 : i32 to vector<16xi32>
      %max3A_614 = arith.maxsi %get3A_611, %max3A_613 : vector<16xi32>
      %min3A_615 = arith.constant 19999 : i32
      %min3A_616 = vector.broadcast %min3A_615 : i32 to vector<16xi32>
      %min3A_617 = arith.minsi %max3A_614, %min3A_616 : vector<16xi32>
      %swap3A_618 = arith.constant 208 : index
      %swap3A_619 = tpu.vector_load %arg11[%swap3A_618] {strides = array<i32>} : memref<224xi32, #tpu.memory_space<vmem>>, vector<16xi32>,
      tpu.vector_store %arg11[%swap3A_618], %min3A_617 {strides = array<i32>} : memref<224xi32, #tpu.memory_space<vmem>>, vector<16xi32>,
      %mul3A_620 = arith.constant 1250 : i32
      %mul3A_621 = arith.muli %add3A, %mul3A_620 : i32
      %shift_right_logical3A_622 = arith.constant 4 : i32
      %shift_right_logical3A_623 = vector.broadcast %shift_right_logical3A_622 : i32 to vector<16xi32>
      %shift_right_logical3A_624 = arith.shrui %min3A_617, %shift_right_logical3A_623 : vector<16xi32>
      %add3A_625 = vector.broadcast %mul3A_621 : i32 to vector<16xi32>
      %add3A_626 = arith.addi %add3A_625, %shift_right_logical3A_624 : vector<16xi32>
      %and3A_627 = arith.constant 15 : i32
      %and3A_628 = vector.broadcast %and3A_627 : i32 to vector<16xi32>
      %and3A_629 = arith.andi %min3A_617, %and3A_628 : vector<16xi32>
      %swap3A_630 = arith.constant 208 : index
      %swap3A_631 = tpu.vector_load %arg12[%swap3A_630] {strides = array<i32>} : memref<224xi32, #tpu.memory_space<vmem>>, vector<16xi32>,
      tpu.vector_store %arg12[%swap3A_630], %and3A_629 {strides = array<i32>} : memref<224xi32, #tpu.memory_space<vmem>>, vector<16xi32>,
      %swap3A_632 = arith.constant 80 : index
      %swap3A_633 = tpu.vector_load %arg14[%swap3A_632] {strides = array<i32>} : memref<96xi32, #tpu.memory_space<vmem>>, vector<16xi32>,
      tpu.vector_store %arg14[%swap3A_632], %add3A_626 {strides = array<i32>} : memref<96xi32, #tpu.memory_space<vmem>>, vector<16xi32>,
      %dma_start3A = arith.constant 0 : i32
      %dma_start3A_634 = arith.constant 0 : i32
      %dma_start3A_635 = tpu.memref_slice %arg4[%dma_start3A, %dma_start3A_634] : memref<20000x128xf32, #tpu.memory_space<hbm>> -> memref<20000x128xf32, #tpu.memory_space<hbm>>
      tpu.enqueue_indirect_dma source(%dma_start3A_635 : memref<20000x128xf32, #tpu.memory_space<hbm>>) target(%arg15 : memref<128x128xf32, #tpu.memory_space<vmem>>) offsets(%arg13 : memref<128xi32, #tpu.memory_space<vmem>>) semaphore(%arg18 : memref<!tpu.dma_semaphore, #tpu.memory_space<semaphore_mem>>)
      %dma_wait3A = arith.constant 0 : i32
      %dma_wait3A_636 = arith.constant 0 : i32
      %dma_wait3A_637 = tpu.memref_slice %arg4[%dma_wait3A, %dma_wait3A_636] : memref<20000x128xf32, #tpu.memory_space<hbm>> -> memref<20000x128xf32, #tpu.memory_space<hbm>>
      tpu.wait_indirect_dma semaphore(%arg18 : memref<!tpu.dma_semaphore, #tpu.memory_space<semaphore_mem>>) src(%dma_wait3A_637 : memref<20000x128xf32, #tpu.memory_space<hbm>>) dst(%arg15 : memref<128x128xf32, #tpu.memory_space<vmem>>)
      %dma_start3A_638 = arith.constant 0 : i32
      %dma_start3A_639 = arith.constant 0 : i32
      %dma_start3A_640 = tpu.memref_slice %arg4[%dma_start3A_638, %dma_start3A_639] : memref<20000x128xf32, #tpu.memory_space<hbm>> -> memref<20000x128xf32, #tpu.memory_space<hbm>>
      tpu.enqueue_indirect_dma source(%dma_start3A_640 : memref<20000x128xf32, #tpu.memory_space<hbm>>) target(%arg16 : memref<96x128xf32, #tpu.memory_space<vmem>>) offsets(%arg14 : memref<96xi32, #tpu.memory_space<vmem>>) semaphore(%arg18 : memref<!tpu.dma_semaphore, #tpu.memory_space<semaphore_mem>>)
      %dma_wait3A_641 = arith.constant 0 : i32
      %dma_wait3A_642 = arith.constant 0 : i32
      %dma_wait3A_643 = tpu.memref_slice %arg4[%dma_wait3A_641, %dma_wait3A_642] : memref<20000x128xf32, #tpu.memory_space<hbm>> -> memref<20000x128xf32, #tpu.memory_space<hbm>>
      tpu.wait_indirect_dma semaphore(%arg18 : memref<!tpu.dma_semaphore, #tpu.memory_space<semaphore_mem>>) src(%dma_wait3A_643 : memref<20000x128xf32, #tpu.memory_space<hbm>>) dst(%arg16 : memref<96x128xf32, #tpu.memory_space<vmem>>)
      %convert_element_type3A_644 = arith.sitofp %add3A : i32 to f32
      %broadcast_in_dim3A_645 = arith.constant 0.000000e+00 : f32
      %broadcast_in_dim3A_646 = vector.broadcast %broadcast_in_dim3A_645 : f32 to vector<16xf32>
      %add3A_647 = vector.broadcast %convert_element_type3A_644 : f32 to vector<16xf32>
      %add3A_648 = arith.addf %broadcast_in_dim3A_646, %add3A_647 : vector<16xf32>
      %scan3A_649 = arith.constant 0 : i32
      %scan3A_650 = arith.constant 0 : i32
      %scan3A_651 = arith.constant 8 : i32
      %scan3A_652 = arith.addi %scan3A_650, %scan3A_651 : i32
      %scan3A_653 = arith.constant 1 : i32
      %scan3A_654 = scf.for %scan3A_663 = %scan3A_650 to %scan3A_652 step %scan3A_653 iter_args(%scan3A_664 = %scan3A_649) -> (i32)  : i32 {
        %add3A_665 = arith.constant 0 : i32
        %add3A_666 = arith.addi %scan3A_663, %add3A_665 : i32
        %mul3A_667 = arith.constant 16 : i32
        %mul3A_668 = arith.muli %add3A_666, %mul3A_667 : i32
        %get3A_669 = arith.index_cast %mul3A_668 : i32 to index
        %get3A_670 = tpu.vector_load %arg12[%get3A_669] {strides = array<i32>} : memref<224xi32, #tpu.memory_space<vmem>>, vector<16xi32>,
        %mul3A_671 = arith.constant 16 : i32
        %mul3A_672 = arith.muli %scan3A_663, %mul3A_671 : i32
        %add3A_673 = vector.broadcast %mul3A_672 : i32 to vector<16xi32>
        %add3A_674 = arith.addi %add3A_673, %iota3A : vector<16xi32>
        %add3A_675 = arith.constant 0 : i32
        %add3A_676 = vector.broadcast %add3A_675 : i32 to vector<16xi32>
        %add3A_677 = arith.addi %add3A_676, %get3A_670 : vector<16xi32>
        %gather3A = tpu.vector_load_idx %arg15[%add3A_674, %add3A_677] : memref<128x128xf32, #tpu.memory_space<vmem>>[vector<16xi32>, vector<16xi32>], vector<16xf32>,
        %add3A_678 = arith.constant 16 : i32
        %add3A_679 = vector.broadcast %add3A_678 : i32 to vector<16xi32>
        %add3A_680 = arith.addi %add3A_679, %get3A_670 : vector<16xi32>
        %gather3A_681 = tpu.vector_load_idx %arg15[%add3A_674, %add3A_680] : memref<128x128xf32, #tpu.memory_space<vmem>>[vector<16xi32>, vector<16xi32>], vector<16xf32>,
        %add3A_682 = arith.constant 32 : i32
        %add3A_683 = vector.broadcast %add3A_682 : i32 to vector<16xi32>
        %add3A_684 = arith.addi %add3A_683, %get3A_670 : vector<16xi32>
        %gather3A_685 = tpu.vector_load_idx %arg15[%add3A_674, %add3A_684] : memref<128x128xf32, #tpu.memory_space<vmem>>[vector<16xi32>, vector<16xi32>], vector<16xf32>,
        %add3A_686 = arith.constant 48 : i32
        %add3A_687 = vector.broadcast %add3A_686 : i32 to vector<16xi32>
        %add3A_688 = arith.addi %add3A_687, %get3A_670 : vector<16xi32>
        %gather3A_689 = tpu.vector_load_idx %arg15[%add3A_674, %add3A_688] : memref<128x128xf32, #tpu.memory_space<vmem>>[vector<16xi32>, vector<16xi32>], vector<16xf32>,
        %add3A_690 = arith.constant 64 : i32
        %add3A_691 = vector.broadcast %add3A_690 : i32 to vector<16xi32>
        %add3A_692 = arith.addi %add3A_691, %get3A_670 : vector<16xi32>
        %gather3A_693 = tpu.vector_load_idx %arg15[%add3A_674, %add3A_692] : memref<128x128xf32, #tpu.memory_space<vmem>>[vector<16xi32>, vector<16xi32>], vector<16xf32>,
        %add3A_694 = arith.constant 80 : i32
        %add3A_695 = vector.broadcast %add3A_694 : i32 to vector<16xi32>
        %add3A_696 = arith.addi %add3A_695, %get3A_670 : vector<16xi32>
        %gather3A_697 = tpu.vector_load_idx %arg15[%add3A_674, %add3A_696] : memref<128x128xf32, #tpu.memory_space<vmem>>[vector<16xi32>, vector<16xi32>], vector<16xf32>,
        %mul3A_698 = arith.constant 5.000000e-01 : f32
        %mul3A_699 = vector.broadcast %mul3A_698 : f32 to vector<16xf32>
        %mul3A_700 = arith.mulf %gather3A_685, %mul3A_699 : vector<16xf32>
        %mul3A_701 = arith.constant 5.000000e-01 : f32
        %mul3A_702 = vector.broadcast %mul3A_701 : f32 to vector<16xf32>
        %mul3A_703 = arith.mulf %gather3A_689, %mul3A_702 : vector<16xf32>
        %sub3A = arith.subf %gather3A, %mul3A_700 : vector<16xf32>
        %mul3A_704 = arith.constant 0.00156494521 : f32
        %mul3A_705 = vector.broadcast %mul3A_704 : f32 to vector<16xf32>
        %mul3A_706 = arith.mulf %sub3A, %mul3A_705 : vector<16xf32>
        %sub3A_707 = arith.subf %gather3A_681, %mul3A_703 : vector<16xf32>
        %mul3A_708 = arith.constant 0.00156494521 : f32
        %mul3A_709 = vector.broadcast %mul3A_708 : f32 to vector<16xf32>
        %mul3A_710 = arith.mulf %sub3A_707, %mul3A_709 : vector<16xf32>
        %add3A_711 = arith.addf %gather3A, %mul3A_700 : vector<16xf32>
        %mul3A_712 = arith.constant 0.00156494521 : f32
        %mul3A_713 = vector.broadcast %mul3A_712 : f32 to vector<16xf32>
        %mul3A_714 = arith.mulf %add3A_711, %mul3A_713 : vector<16xf32>
        %add3A_715 = arith.addf %gather3A_681, %mul3A_703 : vector<16xf32>
        %mul3A_716 = arith.constant 0.00156494521 : f32
        %mul3A_717 = vector.broadcast %mul3A_716 : f32 to vector<16xf32>
        %mul3A_718 = arith.mulf %add3A_715, %mul3A_717 : vector<16xf32>
        %add3A_719 = arith.constant 0 : i32
        %add3A_720 = arith.addi %scan3A_663, %add3A_719 : i32
        %mul3A_721 = arith.constant 16 : i32
        %mul3A_722 = arith.muli %add3A_720, %mul3A_721 : i32
        %add3A_723 = vector.broadcast %mul3A_722 : i32 to vector<16xi32>
        %add3A_724 = arith.addi %add3A_723, %iota3A : vector<16xi32>
        %broadcast_in_dim3A_725 = arith.constant 0 : i32
        %broadcast_in_dim3A_726 = vector.broadcast %broadcast_in_dim3A_725 : i32 to vector<16xi32>
        %add3A_727 = arith.constant 0 : i32
        %add3A_728 = vector.broadcast %add3A_727 : i32 to vector<16xi32>
        %add3A_729 = arith.addi %broadcast_in_dim3A_726, %add3A_728 : vector<16xi32>
        tpu.vector_store_idx %arg17[%add3A_724, %add3A_729], %add3A_648 : memref<224x16xf32, #tpu.memory_space<vmem>>[vector<16xi32>, vector<16xi32>], vector<16xf32>,
        %broadcast_in_dim3A_730 = arith.constant 0 : i32
        %broadcast_in_dim3A_731 = vector.broadcast %broadcast_in_dim3A_730 : i32 to vector<16xi32>
        %add3A_732 = arith.constant 1 : i32
        %add3A_733 = vector.broadcast %add3A_732 : i32 to vector<16xi32>
        %add3A_734 = arith.addi %broadcast_in_dim3A_731, %add3A_733 : vector<16xi32>
        tpu.vector_store_idx %arg17[%add3A_724, %add3A_734], %gather3A_697 : memref<224x16xf32, #tpu.memory_space<vmem>>[vector<16xi32>, vector<16xi32>], vector<16xf32>,
        %broadcast_in_dim3A_735 = arith.constant 0 : i32
        %broadcast_in_dim3A_736 = vector.broadcast %broadcast_in_dim3A_735 : i32 to vector<16xi32>
        %add3A_737 = arith.constant 2 : i32
        %add3A_738 = vector.broadcast %add3A_737 : i32 to vector<16xi32>
        %add3A_739 = arith.addi %broadcast_in_dim3A_736, %add3A_738 : vector<16xi32>
        tpu.vector_store_idx %arg17[%add3A_724, %add3A_739], %gather3A_693 : memref<224x16xf32, #tpu.memory_space<vmem>>[vector<16xi32>, vector<16xi32>], vector<16xf32>,
        %broadcast_in_dim3A_740 = arith.constant 0 : i32
        %broadcast_in_dim3A_741 = vector.broadcast %broadcast_in_dim3A_740 : i32 to vector<16xi32>
        %add3A_742 = arith.constant 3 : i32
        %add3A_743 = vector.broadcast %add3A_742 : i32 to vector<16xi32>
        %add3A_744 = arith.addi %broadcast_in_dim3A_741, %add3A_743 : vector<16xi32>
        tpu.vector_store_idx %arg17[%add3A_724, %add3A_744], %mul3A_706 : memref<224x16xf32, #tpu.memory_space<vmem>>[vector<16xi32>, vector<16xi32>], vector<16xf32>,
        %broadcast_in_dim3A_745 = arith.constant 0 : i32
        %broadcast_in_dim3A_746 = vector.broadcast %broadcast_in_dim3A_745 : i32 to vector<16xi32>
        %add3A_747 = arith.constant 4 : i32
        %add3A_748 = vector.broadcast %add3A_747 : i32 to vector<16xi32>
        %add3A_749 = arith.addi %broadcast_in_dim3A_746, %add3A_748 : vector<16xi32>
        tpu.vector_store_idx %arg17[%add3A_724, %add3A_749], %mul3A_710 : memref<224x16xf32, #tpu.memory_space<vmem>>[vector<16xi32>, vector<16xi32>], vector<16xf32>,
        %broadcast_in_dim3A_750 = arith.constant 0 : i32
        %broadcast_in_dim3A_751 = vector.broadcast %broadcast_in_dim3A_750 : i32 to vector<16xi32>
        %add3A_752 = arith.constant 5 : i32
        %add3A_753 = vector.broadcast %add3A_752 : i32 to vector<16xi32>
        %add3A_754 = arith.addi %broadcast_in_dim3A_751, %add3A_753 : vector<16xi32>
        tpu.vector_store_idx %arg17[%add3A_724, %add3A_754], %mul3A_714 : memref<224x16xf32, #tpu.memory_space<vmem>>[vector<16xi32>, vector<16xi32>], vector<16xf32>,
        %broadcast_in_dim3A_755 = arith.constant 0 : i32
        %broadcast_in_dim3A_756 = vector.broadcast %broadcast_in_dim3A_755 : i32 to vector<16xi32>
        %add3A_757 = arith.constant 6 : i32
        %add3A_758 = vector.broadcast %add3A_757 : i32 to vector<16xi32>
        %add3A_759 = arith.addi %broadcast_in_dim3A_756, %add3A_758 : vector<16xi32>
        tpu.vector_store_idx %arg17[%add3A_724, %add3A_759], %mul3A_718 : memref<224x16xf32, #tpu.memory_space<vmem>>[vector<16xi32>, vector<16xi32>], vector<16xf32>,
        %scan3A_760 = arith.constant 0 : i32
        scf.yield %scan3A_760 : i32
      }
      %scan3A_655 = arith.constant 8 : i32
      %scan3A_656 = arith.constant 0 : i32
      %scan3A_657 = arith.constant 0 : i32
      %scan3A_658 = arith.constant 6 : i32
      %scan3A_659 = arith.addi %scan3A_657, %scan3A_658 : i32
      %scan3A_660 = arith.constant 1 : i32
      %scan3A_661 = scf.for %scan3A_663 = %scan3A_657 to %scan3A_659 step %scan3A_660 iter_args(%scan3A_664 = %scan3A_656) -> (i32)  : i32 {
        %add3A_665 = arith.constant 8 : i32
        %add3A_666 = arith.addi %scan3A_663, %add3A_665 : i32
        %mul3A_667 = arith.constant 16 : i32
        %mul3A_668 = arith.muli %add3A_666, %mul3A_667 : i32
        %get3A_669 = arith.index_cast %mul3A_668 : i32 to index
        %get3A_670 = tpu.vector_load %arg12[%get3A_669] {strides = array<i32>} : memref<224xi32, #tpu.memory_space<vmem>>, vector<16xi32>,
        %mul3A_671 = arith.constant 16 : i32
        %mul3A_672 = arith.muli %scan3A_663, %mul3A_671 : i32
        %add3A_673 = vector.broadcast %mul3A_672 : i32 to vector<16xi32>
        %add3A_674 = arith.addi %add3A_673, %iota3A : vector<16xi32>
        %add3A_675 = arith.constant 0 : i32
        %add3A_676 = vector.broadcast %add3A_675 : i32 to vector<16xi32>
        %add3A_677 = arith.addi %add3A_676, %get3A_670 : vector<16xi32>
        %gather3A = tpu.vector_load_idx %arg16[%add3A_674, %add3A_677] : memref<96x128xf32, #tpu.memory_space<vmem>>[vector<16xi32>, vector<16xi32>], vector<16xf32>,
        %add3A_678 = arith.constant 16 : i32
        %add3A_679 = vector.broadcast %add3A_678 : i32 to vector<16xi32>
        %add3A_680 = arith.addi %add3A_679, %get3A_670 : vector<16xi32>
        %gather3A_681 = tpu.vector_load_idx %arg16[%add3A_674, %add3A_680] : memref<96x128xf32, #tpu.memory_space<vmem>>[vector<16xi32>, vector<16xi32>], vector<16xf32>,
        %add3A_682 = arith.constant 32 : i32
        %add3A_683 = vector.broadcast %add3A_682 : i32 to vector<16xi32>
        %add3A_684 = arith.addi %add3A_683, %get3A_670 : vector<16xi32>
        %gather3A_685 = tpu.vector_load_idx %arg16[%add3A_674, %add3A_684] : memref<96x128xf32, #tpu.memory_space<vmem>>[vector<16xi32>, vector<16xi32>], vector<16xf32>,
        %add3A_686 = arith.constant 48 : i32
        %add3A_687 = vector.broadcast %add3A_686 : i32 to vector<16xi32>
        %add3A_688 = arith.addi %add3A_687, %get3A_670 : vector<16xi32>
        %gather3A_689 = tpu.vector_load_idx %arg16[%add3A_674, %add3A_688] : memref<96x128xf32, #tpu.memory_space<vmem>>[vector<16xi32>, vector<16xi32>], vector<16xf32>,
        %add3A_690 = arith.constant 64 : i32
        %add3A_691 = vector.broadcast %add3A_690 : i32 to vector<16xi32>
        %add3A_692 = arith.addi %add3A_691, %get3A_670 : vector<16xi32>
        %gather3A_693 = tpu.vector_load_idx %arg16[%add3A_674, %add3A_692] : memref<96x128xf32, #tpu.memory_space<vmem>>[vector<16xi32>, vector<16xi32>], vector<16xf32>,
        %add3A_694 = arith.constant 80 : i32
        %add3A_695 = vector.broadcast %add3A_694 : i32 to vector<16xi32>
        %add3A_696 = arith.addi %add3A_695, %get3A_670 : vector<16xi32>
        %gather3A_697 = tpu.vector_load_idx %arg16[%add3A_674, %add3A_696] : memref<96x128xf32, #tpu.memory_space<vmem>>[vector<16xi32>, vector<16xi32>], vector<16xf32>,
        %mul3A_698 = arith.constant 5.000000e-01 : f32
        %mul3A_699 = vector.broadcast %mul3A_698 : f32 to vector<16xf32>
        %mul3A_700 = arith.mulf %gather3A_685, %mul3A_699 : vector<16xf32>
        %mul3A_701 = arith.constant 5.000000e-01 : f32
        %mul3A_702 = vector.broadcast %mul3A_701 : f32 to vector<16xf32>
        %mul3A_703 = arith.mulf %gather3A_689, %mul3A_702 : vector<16xf32>
        %sub3A = arith.subf %gather3A, %mul3A_700 : vector<16xf32>
        %mul3A_704 = arith.constant 0.00156494521 : f32
        %mul3A_705 = vector.broadcast %mul3A_704 : f32 to vector<16xf32>
        %mul3A_706 = arith.mulf %sub3A, %mul3A_705 : vector<16xf32>
        %sub3A_707 = arith.subf %gather3A_681, %mul3A_703 : vector<16xf32>
        %mul3A_708 = arith.constant 0.00156494521 : f32
        %mul3A_709 = vector.broadcast %mul3A_708 : f32 to vector<16xf32>
        %mul3A_710 = arith.mulf %sub3A_707, %mul3A_709 : vector<16xf32>
        %add3A_711 = arith.addf %gather3A, %mul3A_700 : vector<16xf32>
        %mul3A_712 = arith.constant 0.00156494521 : f32
        %mul3A_713 = vector.broadcast %mul3A_712 : f32 to vector<16xf32>
        %mul3A_714 = arith.mulf %add3A_711, %mul3A_713 : vector<16xf32>
        %add3A_715 = arith.addf %gather3A_681, %mul3A_703 : vector<16xf32>
        %mul3A_716 = arith.constant 0.00156494521 : f32
        %mul3A_717 = vector.broadcast %mul3A_716 : f32 to vector<16xf32>
        %mul3A_718 = arith.mulf %add3A_715, %mul3A_717 : vector<16xf32>
        %add3A_719 = arith.constant 8 : i32
        %add3A_720 = arith.addi %scan3A_663, %add3A_719 : i32
        %mul3A_721 = arith.constant 16 : i32
        %mul3A_722 = arith.muli %add3A_720, %mul3A_721 : i32
        %add3A_723 = vector.broadcast %mul3A_722 : i32 to vector<16xi32>
        %add3A_724 = arith.addi %add3A_723, %iota3A : vector<16xi32>
        %broadcast_in_dim3A_725 = arith.constant 0 : i32
        %broadcast_in_dim3A_726 = vector.broadcast %broadcast_in_dim3A_725 : i32 to vector<16xi32>
        %add3A_727 = arith.constant 0 : i32
        %add3A_728 = vector.broadcast %add3A_727 : i32 to vector<16xi32>
        %add3A_729 = arith.addi %broadcast_in_dim3A_726, %add3A_728 : vector<16xi32>
        tpu.vector_store_idx %arg17[%add3A_724, %add3A_729], %add3A_648 : memref<224x16xf32, #tpu.memory_space<vmem>>[vector<16xi32>, vector<16xi32>], vector<16xf32>,
        %broadcast_in_dim3A_730 = arith.constant 0 : i32
        %broadcast_in_dim3A_731 = vector.broadcast %broadcast_in_dim3A_730 : i32 to vector<16xi32>
        %add3A_732 = arith.constant 1 : i32
        %add3A_733 = vector.broadcast %add3A_732 : i32 to vector<16xi32>
        %add3A_734 = arith.addi %broadcast_in_dim3A_731, %add3A_733 : vector<16xi32>
        tpu.vector_store_idx %arg17[%add3A_724, %add3A_734], %gather3A_697 : memref<224x16xf32, #tpu.memory_space<vmem>>[vector<16xi32>, vector<16xi32>], vector<16xf32>,
        %broadcast_in_dim3A_735 = arith.constant 0 : i32
        %broadcast_in_dim3A_736 = vector.broadcast %broadcast_in_dim3A_735 : i32 to vector<16xi32>
        %add3A_737 = arith.constant 2 : i32
        %add3A_738 = vector.broadcast %add3A_737 : i32 to vector<16xi32>
        %add3A_739 = arith.addi %broadcast_in_dim3A_736, %add3A_738 : vector<16xi32>
        tpu.vector_store_idx %arg17[%add3A_724, %add3A_739], %gather3A_693 : memref<224x16xf32, #tpu.memory_space<vmem>>[vector<16xi32>, vector<16xi32>], vector<16xf32>,
        %broadcast_in_dim3A_740 = arith.constant 0 : i32
        %broadcast_in_dim3A_741 = vector.broadcast %broadcast_in_dim3A_740 : i32 to vector<16xi32>
        %add3A_742 = arith.constant 3 : i32
        %add3A_743 = vector.broadcast %add3A_742 : i32 to vector<16xi32>
        %add3A_744 = arith.addi %broadcast_in_dim3A_741, %add3A_743 : vector<16xi32>
        tpu.vector_store_idx %arg17[%add3A_724, %add3A_744], %mul3A_706 : memref<224x16xf32, #tpu.memory_space<vmem>>[vector<16xi32>, vector<16xi32>], vector<16xf32>,
        %broadcast_in_dim3A_745 = arith.constant 0 : i32
        %broadcast_in_dim3A_746 = vector.broadcast %broadcast_in_dim3A_745 : i32 to vector<16xi32>
        %add3A_747 = arith.constant 4 : i32
        %add3A_748 = vector.broadcast %add3A_747 : i32 to vector<16xi32>
        %add3A_749 = arith.addi %broadcast_in_dim3A_746, %add3A_748 : vector<16xi32>
        tpu.vector_store_idx %arg17[%add3A_724, %add3A_749], %mul3A_710 : memref<224x16xf32, #tpu.memory_space<vmem>>[vector<16xi32>, vector<16xi32>], vector<16xf32>,
        %broadcast_in_dim3A_750 = arith.constant 0 : i32
        %broadcast_in_dim3A_751 = vector.broadcast %broadcast_in_dim3A_750 : i32 to vector<16xi32>
        %add3A_752 = arith.constant 5 : i32
        %add3A_753 = vector.broadcast %add3A_752 : i32 to vector<16xi32>
        %add3A_754 = arith.addi %broadcast_in_dim3A_751, %add3A_753 : vector<16xi32>
        tpu.vector_store_idx %arg17[%add3A_724, %add3A_754], %mul3A_714 : memref<224x16xf32, #tpu.memory_space<vmem>>[vector<16xi32>, vector<16xi32>], vector<16xf32>,
        %broadcast_in_dim3A_755 = arith.constant 0 : i32
        %broadcast_in_dim3A_756 = vector.broadcast %broadcast_in_dim3A_755 : i32 to vector<16xi32>
        %add3A_757 = arith.constant 6 : i32
        %add3A_758 = vector.broadcast %add3A_757 : i32 to vector<16xi32>
        %add3A_759 = arith.addi %broadcast_in_dim3A_756, %add3A_758 : vector<16xi32>
        tpu.vector_store_idx %arg17[%add3A_724, %add3A_759], %mul3A_718 : memref<224x16xf32, #tpu.memory_space<vmem>>[vector<16xi32>, vector<16xi32>], vector<16xf32>,
        %scan3A_760 = arith.constant 0 : i32
        scf.yield %scan3A_760 : i32
      }
      %scan3A_662 = arith.constant 6 : i32
      "tpu.region"() ({
        %run_scoped3A = tpu.sem_alloc : memref<!tpu.dma_semaphore, #tpu.memory_space<semaphore_mem>>
        %dma_start3A_663 = arith.constant 0 : i32
        %dma_start3A_664 = arith.constant 0 : i32
        %dma_start3A_665 = tpu.memref_slice %arg5[%add3A, %dma_start3A_663, %dma_start3A_664] : memref<16x224x16xf32, #tpu.memory_space<hbm>> -> memref<1x224x16xf32, #tpu.memory_space<hbm>>
        %dma_start3A_666 = tpu.memref_squeeze %dma_start3A_665 : memref<1x224x16xf32, #tpu.memory_space<hbm>> -> memref<224x16xf32, #tpu.memory_space<hbm>>
        %dma_start3A_667 = arith.constant 0 : i32
        %dma_start3A_668 = arith.constant 0 : i32
        %dma_start3A_669 = tpu.memref_slice %arg5[%add3A, %dma_start3A_667, %dma_start3A_668] : memref<16x224x16xf32, #tpu.memory_space<hbm>> -> memref<1x224x16xf32, #tpu.memory_space<hbm>>
        %dma_start3A_670 = tpu.memref_squeeze %dma_start3A_669 : memref<1x224x16xf32, #tpu.memory_space<hbm>> -> memref<224x16xf32, #tpu.memory_space<hbm>>
        tpu.enqueue_dma source(%arg17 : memref<224x16xf32, #tpu.memory_space<vmem>>) target(%dma_start3A_670 : memref<224x16xf32, #tpu.memory_space<hbm>>) target_semaphore(%run_scoped3A : memref<!tpu.dma_semaphore, #tpu.memory_space<semaphore_mem>>)
        %dma_wait3A_671 = arith.constant 0 : i32
        %dma_wait3A_672 = arith.constant 0 : i32
        %dma_wait3A_673 = tpu.memref_slice %arg5[%add3A, %dma_wait3A_671, %dma_wait3A_672] : memref<16x224x16xf32, #tpu.memory_space<hbm>> -> memref<1x224x16xf32, #tpu.memory_space<hbm>>
        %dma_wait3A_674 = tpu.memref_squeeze %dma_wait3A_673 : memref<1x224x16xf32, #tpu.memory_space<hbm>> -> memref<224x16xf32, #tpu.memory_space<hbm>>
        %dma_wait3A_675 = arith.constant 0 : i32
        %dma_wait3A_676 = arith.constant 0 : i32
        %dma_wait3A_677 = tpu.memref_slice %arg5[%add3A, %dma_wait3A_675, %dma_wait3A_676] : memref<16x224x16xf32, #tpu.memory_space<hbm>> -> memref<1x224x16xf32, #tpu.memory_space<hbm>>
        %dma_wait3A_678 = tpu.memref_squeeze %dma_wait3A_677 : memref<1x224x16xf32, #tpu.memory_space<hbm>> -> memref<224x16xf32, #tpu.memory_space<hbm>>
        tpu.wait_dma2 semaphore(%run_scoped3A : memref<!tpu.dma_semaphore, #tpu.memory_space<semaphore_mem>>) src(%arg17 : memref<224x16xf32, #tpu.memory_space<vmem>>) dst(%dma_wait3A_678 : memref<224x16xf32, #tpu.memory_space<hbm>>)
        tpu.yield
      }) : () -> ()
    } else {
    }
    return
  }
}

module attributes {stable_mosaic.version = 14 : i64} {
  func.func @_score_stage(%arg0: i32, %arg1: memref<1x20000x85xf32, #tpu.memory_space<vmem>>, %arg2: memref<1x8x20000xf32, #tpu.memory_space<vmem>>) attributes {dimension_semantics = [#tpu.dimension_semantics<arbitrary>], iteration_bounds = array<i64: 16>, scalar_prefetch = 0 : i64, scratch_operands = 0 : i64, tpu.core_type = #tpu.core_type<tc>, window_params = [{transform_indices = @transform_0, window_bounds = array<i64: 1, 20000, 85>}, {transform_indices = @transform_1, window_bounds = array<i64: 1, 8, 20000>}]} {
    %get3A = arith.constant 0 : index
    %get3A_0 = arith.constant 0 : index
    %get3A_1 = arith.constant 0 : index
    %get3A_2 = vector.load %arg1[%get3A, %get3A_0, %get3A_1] : memref<1x20000x85xf32, #tpu.memory_space<vmem>>, vector<1x20000x85xf32>
    %get3A_3 = vector.shape_cast %get3A_2 : vector<1x20000x85xf32> to vector<20000x85xf32>
    %transpose3A = tpu.transpose %get3A_3, [1, 0] : vector<20000x85xf32> -> vector<85x20000xf32>
    %iota3A = tpu.iota {dimensions = array<i32: 0>} : vector<85x20000xi32>
    %sub3A = arith.constant 5 : i32
    %sub3A_4 = vector.broadcast %sub3A : i32 to vector<85x20000xi32>
    %sub3A_5 = arith.subi %iota3A, %sub3A_4 : vector<85x20000xi32>
    %convert_element_type3A = arith.sitofp %sub3A_5 : vector<85x20000xi32> to vector<85x20000xf32>
    %ge3A = arith.constant 5 : i32
    %ge3A_6 = vector.broadcast %ge3A : i32 to vector<85x20000xi32>
    %ge3A_7 = arith.cmpi sge, %iota3A, %ge3A_6 : vector<85x20000xi32>
    %jit3A = arith.constant 0xFF800000 : f32
    %broadcast_in_dim3A = vector.broadcast %jit3A : f32 to vector<85x20000xf32>
    %select_n3A = arith.select %ge3A_7, %transpose3A, %broadcast_in_dim3A : vector<85x20000xi1>, vector<85x20000xf32>
    %reduce_max3A = arith.constant dense<0xFF800000> : vector<20000xf32>
    %reduce_max3A_8 = vector.multi_reduction <maximumf>, %select_n3A, %reduce_max3A [0] : vector<85x20000xf32> to vector<20000xf32>
    %broadcast_in_dim3A_9 = vector.shape_cast %reduce_max3A_8 : vector<20000xf32> to vector<1x20000xf32>
    %eq3A = vector.broadcast %broadcast_in_dim3A_9 : vector<1x20000xf32> to vector<85x20000xf32>
    %eq3A_10 = arith.cmpf oeq, %select_n3A, %eq3A : vector<85x20000xf32>
    %jit3A_11 = arith.constant 8.500000e+01 : f32
    %broadcast_in_dim3A_12 = vector.broadcast %jit3A_11 : f32 to vector<85x20000xf32>
    %select_n3A_13 = arith.select %eq3A_10, %convert_element_type3A, %broadcast_in_dim3A_12 : vector<85x20000xi1>, vector<85x20000xf32>
    %reduce_min3A = arith.constant dense<0x7F800000> : vector<20000xf32>
    %reduce_min3A_14 = vector.multi_reduction <minimumf>, %select_n3A_13, %reduce_min3A [0] : vector<85x20000xf32> to vector<20000xf32>
    %broadcast_in_dim3A_15 = vector.shape_cast %reduce_min3A_14 : vector<20000xf32> to vector<1x20000xf32>
    %eq3A_16 = arith.constant 4 : i32
    %eq3A_17 = vector.broadcast %eq3A_16 : i32 to vector<85x20000xi32>
    %eq3A_18 = arith.cmpi eq, %iota3A, %eq3A_17 : vector<85x20000xi32>
    %jit3A_19 = arith.constant 0xFF800000 : f32
    %broadcast_in_dim3A_20 = vector.broadcast %jit3A_19 : f32 to vector<85x20000xf32>
    %select_n3A_21 = arith.select %eq3A_18, %transpose3A, %broadcast_in_dim3A_20 : vector<85x20000xi1>, vector<85x20000xf32>
    %reduce_max3A_22 = arith.constant dense<0xFF800000> : vector<20000xf32>
    %reduce_max3A_23 = vector.multi_reduction <maximumf>, %select_n3A_21, %reduce_max3A_22 [0] : vector<85x20000xf32> to vector<20000xf32>
    %broadcast_in_dim3A_24 = vector.shape_cast %reduce_max3A_23 : vector<20000xf32> to vector<1x20000xf32>
    %mul3A = arith.mulf %broadcast_in_dim3A_9, %broadcast_in_dim3A_24 : vector<1x20000xf32>
    %slice3A = vector.extract_strided_slice %transpose3A {offsets = [0, 0], sizes = [4, 20000], strides = [1, 1]} : vector<85x20000xf32> to vector<4x20000xf32>
    %concatenate3A = tpu.concatenate %slice3A, %mul3A, %broadcast_in_dim3A_15, %mul3A, %mul3A in 0 : vector<4x20000xf32>, vector<1x20000xf32>, vector<1x20000xf32>, vector<1x20000xf32>, vector<1x20000xf32> -> vector<8x20000xf32>
    %swap3A = arith.constant 0 : index
    %swap3A_25 = arith.constant 0 : index
    %swap3A_26 = arith.constant 0 : index
    %swap3A_27 = vector.load %arg2[%swap3A, %swap3A_25, %swap3A_26] : memref<1x8x20000xf32, #tpu.memory_space<vmem>>, vector<1x8x20000xf32>
    %swap3A_28 = vector.shape_cast %swap3A_27 : vector<1x8x20000xf32> to vector<8x20000xf32>
    %swap3A_29 = vector.shape_cast %concatenate3A : vector<8x20000xf32> to vector<1x8x20000xf32>
    tpu.vector_store %arg2[%swap3A, %swap3A_25, %swap3A_26], %swap3A_29 {strides = array<i32>} : memref<1x8x20000xf32, #tpu.memory_space<vmem>>, vector<1x8x20000xf32>,
    return
  }
  func.func @transform_0(%arg0: i32) -> (i32, i32, i32) {
    %c0_i32 = arith.constant 0 : i32
    %c0_i32_0 = arith.constant 0 : i32
    %c0_i32_1 = arith.constant 0 : i32
    return %arg0, %c0_i32, %c0_i32_0 : i32, i32, i32
  }
  func.func @transform_1(%arg0: i32) -> (i32, i32, i32) {
    %c0_i32 = arith.constant 0 : i32
    %c0_i32_0 = arith.constant 0 : i32
    %c0_i32_1 = arith.constant 0 : i32
    return %arg0, %c0_i32, %c0_i32_0 : i32, i32, i32
  }
}

module attributes {stable_mosaic.version = 14 : i64} {
  func.func @_thresh_stage(%arg0: memref<16x20096xf32, #tpu.memory_space<vmem>>, %arg1: memref<16x128xi32, #tpu.memory_space<vmem>>) attributes {dimension_semantics = [], scalar_prefetch = 0 : i64, scratch_operands = 0 : i64, tpu.core_type = #tpu.core_type<tc>} {
    %get3A = arith.constant 0 : index
    %get3A_0 = arith.constant 0 : index
    %get3A_1 = vector.load %arg0[%get3A, %get3A_0] : memref<16x20096xf32, #tpu.memory_space<vmem>>, vector<16x20096xf32>
    %bitcast_convert_type3A = tpu.bitcast %get3A_1 : vector<16x20096xf32> -> vector<16x20096xi32>
    %broadcast_in_dim3A = arith.constant 0 : i32
    %broadcast_in_dim3A_2 = vector.broadcast %broadcast_in_dim3A : i32 to vector<16x1xi32>
    %scan3A = arith.constant 0 : i32
    %scan3A_3 = arith.constant 31 : i32
    %scan3A_4 = arith.addi %scan3A, %scan3A_3 : i32
    %scan3A_5 = arith.constant 1 : i32
    %scan3A_6 = scf.for %scan3A_12 = %scan3A to %scan3A_4 step %scan3A_5 iter_args(%scan3A_13 = %broadcast_in_dim3A_2) -> (vector<16x1xi32>)  : i32 {
      %sub3A = arith.constant 30 : i32
      %sub3A_14 = arith.subi %sub3A, %scan3A_12 : i32
      %shift_left3A = arith.constant 1 : i32
      %shift_left3A_15 = arith.shli %shift_left3A, %sub3A_14 : i32
      %or3A = vector.broadcast %shift_left3A_15 : i32 to vector<16x1xi32>
      %or3A_16 = arith.ori %scan3A_13, %or3A : vector<16x1xi32>
      %ge3A = vector.broadcast %or3A_16 : vector<16x1xi32> to vector<16x20096xi32>
      %ge3A_17 = arith.cmpi sge, %bitcast_convert_type3A, %ge3A : vector<16x20096xi32>
      %convert_element_type3A = arith.extui %ge3A_17 : vector<16x20096xi1> to vector<16x20096xi32>
      %reduce_sum3A = arith.constant dense<0> : vector<16xi32>
      %reduce_sum3A_18 = vector.multi_reduction <add>, %convert_element_type3A, %reduce_sum3A [1] : vector<16x20096xi32> to vector<16xi32>
      %broadcast_in_dim3A_19 = vector.shape_cast %reduce_sum3A_18 : vector<16xi32> to vector<16x1xi32>
      %ge3A_20 = arith.constant 200 : i32
      %ge3A_21 = vector.broadcast %ge3A_20 : i32 to vector<16x1xi32>
      %ge3A_22 = arith.cmpi sge, %broadcast_in_dim3A_19, %ge3A_21 : vector<16x1xi32>
      %select_n3A = arith.select %ge3A_22, %or3A_16, %scan3A_13 : vector<16x1xi1>, vector<16x1xi32>
      scf.yield %select_n3A : vector<16x1xi32>
    }
    %scan3A_7 = arith.constant 31 : i32
    %broadcast_in_dim3A_8 = vector.shape_cast %scan3A_6 : vector<16x1xi32> to vector<16x1xi32>
    %broadcast_in_dim3A_9 = vector.broadcast %broadcast_in_dim3A_8 : vector<16x1xi32> to vector<16x128xi32>
    %swap3A = arith.constant 0 : index
    %swap3A_10 = arith.constant 0 : index
    %swap3A_11 = vector.load %arg1[%swap3A, %swap3A_10] : memref<16x128xi32, #tpu.memory_space<vmem>>, vector<16x128xi32>
    tpu.vector_store %arg1[%swap3A, %swap3A_10], %broadcast_in_dim3A_9 {strides = array<i32>} : memref<16x128xi32, #tpu.memory_space<vmem>>, vector<16x128xi32>,
    return
  }
}

</mosaic_0001>

<sc_bundles>
// kernel: kernel.5.cloned.1.call-start
scs
__scs_entry_jumppad:
0x0: {  	(pc) =	sbr.rel $0x88, $3  }
0x1: {  	(tag) =	ssettag $0x0;
	lr =	simm.s32 $0x1  }
0x2: {  	[smem:$0x3FA0] =	sst lr;
	_ =	strace $0xD0000000  }
0x3: {  	_ = 	snop  }
0x4: {  	_ = 	snop  }
0x5: {  	_ = 	snop  }
0x6: {  	_ = 	snop  }
0x7: {  	_ = 	snop  }
__scs_overlays_trampoline_lowered:
0x8: {  	[smem:$0x3FAF] =	sst s0  }
0x9: {  	[smem:$0x3FB0] =	sst s1  }
0xa: {  	[smem:$0x3FB1] =	sst s2  }
0xb: {  	[smem:$0x3FB2] =	sst s3  }
0xc: {  	[smem:$0x3FB3] =	sst s4  }
0xd: {  	[smem:$0x3FB4] =	sst s5  }
0xe: {  	[smem:$0x3FB5] =	sst s6  }
0xf: {  	[smem:$0x3FB6] =	sst s7  }
0x10: {  	[smem:$0x3FB7] =	sst s8  }
0x11: {  	[smem:$0x3FB8] =	sst s9;
	s0 =	simm.s32 @!p0 $0x0  }
0x12: {  	s1 =	sld [smem:$0x3F9E];
	s0 =	simm.s32 @p0 $0x1  }
0x13: {  	[smem:$0x3FB9] =	sst s0;
	s0 =	simm.s32 @!p1 $0x0  }
0x14: {  	s2 =	sld [smem:$0x3F9D];
	s0 =	simm.s32 @p1 $0x1  }
0x15: {  	[smem:$0x3FBA] =	sst s0;
	s0 =	simm.s32 @!p2 $0x0  }
0x16: {  	s3 =	sld [smem:$0x3FDB];
	s0 =	simm.s32 @p2 $0x1  }
0x17: {  	s4 =	simm.s32 $0x1BF5;
	[smem:$0x3FBC] =	sst s0  }
0x18: {  	s0 =	sld [smem:$0x3F9F];
	_ =	swait.ge [sflag:s4], $0x0  }
0x19: {  	s7 =	sld [smem:$0x3FA0]  }
0x1a: {  	s8 =	sadd.s32 $0xFFFFE003, lr  }
0x1b: {  	s9 =	sadd.s32 $0xFFFFFEF7, lr;
	s5 =	simm.s32 $0xFFFFFFFF;
	p2 =	slt.u32 s8, $0xFFFFF086  }
0x1c: {  	p1 =	slt.u32 s9, $0xF7A;
	s5 =	simm.s32 @!p2 $0x0  }
0x1d: {  	s5 =	simm.s32 @p1 $0x1;
	p0 =	seq.s32 s7, s2  }
0x1e: {  	s7 =	smul.u32 @!p0 $0xF7A, s2;
	p2 =	seq.s32 @!p0 s5, $0x0  }
0x1f: {  	s9 =	smul.u32 $0xF7A, s1;
	s8 =	simm.s32 @!p0 $0x1BF5;
	p2 =	por !p2, p0  }
0x20: {  	[sflag:s8] =	ssyncset.s32 @!p0 $0xFFFFF086;
	s6 =	sadd.s32 @!p0 s3, s7;
	s7 =	simm.s32 @!p0 $0x108  }
0x21: {  	s3 =	sadd.s32 s3, s9;
	s6 =	sadd.s32 @!p0 $0x88, s6;
	s7 =	simm.s32 @p2 $0x1082  }
0x22: {  	[simem:s7], [sflag:s8] =	dma.local @!p0 [hbm:s6], $0xF7A  }
0x23: {  	s9 =	sor.u32 $0xD0000000, s2;
	s6 =	simm.s32 $0x108;
	_ =	swait.ge @!p0 [sflag:s8], $0x0  }
0x24: {  	s3 =	sadd.s32 $0x88, s3;
	s6 =	simm.s32 @!p1 $0x1082;
	[sflag:s4] =	ssyncset.s32 $0xFFFFF086  }
0x25: {  	[simem:s6], [sflag:s4] =	dma.local [hbm:s3], $0xF7A  }
0x26: {  	[smem:$0x3FA0] =	sst s1;
	(tag) =	ssettag s2;
	_ =	strace s9  }
0x27: {  	s1 =	sld [smem:$0x3FB0]  }
0x28: {  	s2 =	sld [smem:$0x3FB1]  }
0x29: {  	s4 =	sld [smem:$0x3FB3]  }
0x2a: {  	p0 =	seq.s32 s5, $0x0;
	s5 =	sld [smem:$0x3FB4]  }
0x2b: {  	s6 =	sld [smem:$0x3FB5]  }
0x2c: {  	s7 =	sld [smem:$0x3FB6]  }
0x2d: {  	s3 =	simm.s32 $0x108;
	s8 =	sld [smem:$0x3FB7]  }
0x2e: {  	s3 =	simm.s32 @!p0 $0x1082;
	s9 =	sld [smem:$0x3FB8]  }
0x2f: {  	lr =	sadd.s32 s0, s3;
	s0 =	sld [smem:$0x3FAF]  }
0x30: {  	s3 =	sld [smem:$0x3FB2]  }
0x31: {  	[smem:$0x3FBB] =	sst s10  }
0x32: {  	s10 =	sld [smem:$0x3FB9];
	_ =	sdelay $0x3  }
0x33: {  	p0 =	seq.s32 s10, $0x1;
	s10 =	sld [smem:$0x3FBB];
	_ =	sdelay $0x3  }
0x34: {  	[smem:$0x3FBB] =	sst s10  }
0x35: {  	s10 =	sld [smem:$0x3FBA];
	_ =	sdelay $0x3  }
0x36: {  	p1 =	seq.s32 s10, $0x1;
	s10 =	sld [smem:$0x3FBB];
	_ =	sdelay $0x3  }
0x37: {  	[smem:$0x3FBB] =	sst s10  }
0x38: {  	s10 =	sld [smem:$0x3FBC]  }
0x39: {  	_ = 	snop;
	(pc) =	sbr.ind lr, $3  }
0x3a: {  	_ = 	snop  }
0x3b: {  	_ = 	snop  }
0x3c: {  	p2 =	seq.s32 s10, $0x1;
	s10 =	sld [smem:$0x3FBB]  }
0x3d: {  	_ =	shalt  }
0x3e: {  	_ =	shalt  }
0x3f: {  	_ =	shalt  }
0x40: {  	_ =	shalt  }
0x41: {  	_ =	shalt  }
0x42: {  	_ =	shalt  }
0x43: {  	_ =	shalt  }
0x44: {  	_ =	shalt  }
0x45: {  	_ =	shalt  }
0x46: {  	_ =	shalt  }
0x47: {  	_ =	shalt  }
0x48: {  	_ =	shalt  }
0x49: {  	_ =	shalt  }
0x4a: {  	_ =	shalt  }
0x4b: {  	_ =	shalt  }
0x4c: {  	_ =	shalt  }
0x4d: {  	_ =	shalt  }
0x4e: {  	_ =	shalt  }
0x4f: {  	_ =	shalt  }
0x50: {  	_ =	shalt  }
0x51: {  	_ =	shalt  }
0x52: {  	_ =	shalt  }
0x53: {  	_ =	shalt  }
0x54: {  	_ =	shalt  }
0x55: {  	_ =	shalt  }
0x56: {  	_ =	shalt  }
0x57: {  	_ =	shalt  }
0x58: {  	_ =	shalt  }
0x59: {  	_ =	shalt  }
0x5a: {  	_ =	shalt  }
0x5b: {  	_ =	shalt  }
0x5c: {  	_ =	shalt  }
0x5d: {  	_ =	shalt  }
0x5e: {  	_ =	shalt  }
0x5f: {  	_ =	shalt  }
0x60: {  	_ =	shalt  }
0x61: {  	_ =	shalt  }
0x62: {  	_ =	shalt  }
0x63: {  	_ =	shalt  }
0x64: {  	_ =	shalt  }
0x65: {  	_ =	shalt  }
0x66: {  	_ =	shalt  }
0x67: {  	_ =	shalt  }
0x68: {  	_ =	shalt  }
0x69: {  	_ =	shalt  }
0x6a: {  	_ =	shalt  }
0x6b: {  	_ =	shalt  }
0x6c: {  	_ =	shalt  }
0x6d: {  	_ =	shalt  }
0x6e: {  	_ =	shalt  }
0x6f: {  	_ =	shalt  }
0x70: {  	_ =	shalt  }
0x71: {  	_ =	shalt  }
0x72: {  	_ =	shalt  }
0x73: {  	_ =	shalt  }
0x74: {  	_ =	shalt  }
0x75: {  	_ =	shalt  }
0x76: {  	_ =	shalt  }
0x77: {  	_ =	shalt  }
0x78: {  	_ =	shalt  }
0x79: {  	_ =	shalt  }
0x7a: {  	_ =	shalt  }
0x7b: {  	_ =	shalt  }
0x7c: {  	_ =	shalt  }
0x7d: {  	_ =	shalt  }
0x7e: {  	_ =	shalt  }
0x7f: {  	_ =	shalt  }
0x80: {  	_ =	shalt  }
0x81: {  	_ =	shalt  }
0x82: {  	_ =	shalt  }
0x83: {  	_ =	shalt  }
0x84: {  	_ =	shalt  }
0x85: {  	_ =	shalt  }
0x86: {  	_ =	shalt  }
0x87: {  	_ =	shalt  }
.Lfunc_end0:
.L_simem_size_0:
called_computation_lowered:
.L_overlay_start_0:
0x88: {  	s2 =	sld [smem:$0x3FD9]  }
0x89: {  	s3 =	sld [smem:$0x3FFE];
	_ =	sdelay $0x1  }
0x8a: {  	s1 =	srdreg.scid  }
0x8b: {  	s0 =	sand.u32 $0x1, s1  }
0x8c: {  	s14 =	sshll.u32 s0, $0xA;
	s2 =	sadd.s32 s3, s2  }
0x8d: {  	s2 =	sadd.s32 s2, s14  }
0x8e: {  	[smem:$0x3FC7] =	sst s2  }
0x8f: {  	_ = 	snop  }
0x90: {  	s2 =	sld [smem:$0x3FD0];
	_ =	sdelay $0x2  }
0x91: {  	s15 =	simm.s32 $0xA;
	s4 =	simm.s32 $0x10  }
0x92: {  	[smem:s4], [sflag:s15] =	dma.local [hbm:s2], $0x1  }
0x93: {  	_ =	swait.eq [sflag:s15], $0x1  }
0x94: {  	[sflag:s15] =	ssyncset.done $0x0  }
0x95: {  	[sflag:s15] =	ssyncadd.s32 $0xFFFFFFFF  }
0x96: {  	s16 =	sld [smem:$0x11];
	(tm) =	ssettm $0x1  }
0x97: {  	s17 =	sld [smem:$0x3FFB];
	_ =	sdelay $0x3  }
0x98: {  	_ =	strace s17  }
0x99: {  	s3 =	sld [smem:$0x3FFC];
	_ =	sdelay $0x3  }
0x9a: {  	_ =	strace s3  }
0x9b: {  	s3 =	sld [smem:$0x3FFD];
	_ =	sdelay $0x3  }
0x9c: {  	_ =	strace s3  }
0x9d: {  	_ =	strace $0x8FFFFFFF  }
0x9e: {  	s18 =	sld [smem:$0x3FDB];
	_ =	sdelay $0x1  }
0x9f: {  	s19 =	simm.s32 $_scs_section_size  }
0xa0: {  	s5 =	simm.s32 $_size__tile_overlayer_lowered;
	s6 =	simm.s32 $_tile_overlayer_lowered  }
0xa1: {  	s22 =	simm.s32 $0x1BFF;
	s21 =	sshll.u32 s6, $0x1;
	s3 =	sadd.s32 s19, s18  }
0xa2: {  	s7 =	simm.s32 $0x0;
	s20 =	sshll.u32 s5, $0x1;
	s5 =	sadd.s32 s21, s3  }
0xa3: {  	[timem:s7], [sflag:s22] =	dma.local [hbm:s5], s20  }
0xa4: {  	_ =	swait.ge [sflag:s22], s20  }
0xa5: {  	s4 =	ssub.s32 $0x0, s20;
	[sflag:s22] =	ssyncset.done $0x0  }
0xa6: {  	[sflag:s22] =	ssyncadd.s32 s4;
	_ =	sdelay $0x1  }
0xa7: {  	s23 =	simm.s32 $0x1B8B  }
0xa8: {  	_ =	swait.ge [sflag:s23], $0x1  }
0xa9: {  	[sflag:s23] =	ssyncset.done $0x0  }
0xaa: {  	s25 =	simm.s32 $0x1B8E;
	s24 =	sld [smem:$0x3FFE];
	[sflag:s23] =	ssyncadd.s32 $0xFFFFFFFF  }
0xab: {  	s26 =	simm.s32 $execute0_lowered;
	[smem:$0x3FD2] =	sst s25  }
0xac: {  	s5 =	sshll.u32 s26, $0x1;
	_ =	strace $0x80000046;
	[dreg:$0x1] =	wrdreg $0xFFFFFFFF  }
0xad: {  	s28 =	simm.s32 $_size_execute0_lowered;
	s3 =	sadd.s32 s3, s5;
	[dreg:$0x0] =	wrdreg $0x0  }
0xae: {  	s5 =	sshll.u32 s28, $0x1;
	[dreg:$0x2] =	wrdreg s3  }
0xaf: {  	[dreg:$0x3] =	wrdreg s5  }
0xb0: {  	[dreg:$0x4] =	wrdreg $0xC0  }
0xb1: {  	_ =	task [dreg:s7], $0x5FFFF  }
0xb2: {  	[dreg:$0x1] =	wrdreg $0xFFFFFFFF  }
0xb3: {  	[dreg:$0x0] =	wrdreg $0x60  }
0xb4: {  	[dreg:$0x2] =	wrdreg s24  }
0xb5: {  	[dreg:$0x3] =	wrdreg s16  }
0xb6: {  	[dreg:$0x4] =	wrdreg $0x9  }
0xb7: {  	_ =	task.clear_ibuf [dreg:s7], $0x5FFFF;
	_ =	strace $0x90000046  }
0xb8: {  	s29 =	simm.s32 $0x9;
	_ =	strace $0x80000048  }
0xb9: {  	_ =	swait.ge [sflag:s29], $0x1  }
0xba: {  	[sflag:s29] =	ssyncadd.s32 $0xFFFFFFFF  }
0xbb: {  	_ =	strace $0x90000048  }
0xbc: {  	_ =	sfence  }
0xbd: {  	s30 =	sld [smem:$0x0];
	_ =	sdelay $0x2  }
0xbe: {  	s31 =	sshll.u32 s1, $0xD;
	s1 =	sshrl.u32 s1, $0x2  }
0xbf: {  	s3 =	sand.u32 $0x4000, s31;
	s1 =	sadd.s32 s1, s30  }
0xc0: {  	s0 =	sor.u32 s3, s0;
	s1 =	sshll.u32 s1, $0x11  }
0xc1: {  	s0 =	sor.u32 s1, s0  }
0xc2: {  	s0 =	sadd.s32 $0x8F2B, s0  }
0xc3: {  	[sflag:s0] =	ssyncadd.remote.s32 $0x1  }
0xc4: {  	_ =	sfence.sel $0xFFFF  }
0xc5: {  	[dreg:$0x0] =	wrdreg $0xFFFFFFFF;
	(pc) =	sbr.abs _section_cstart, $3  }
0xc6: {  	[dreg:$0x1] =	wrdreg $0xFFFFFFFF  }
0xc7: {  	_ =	task.clear_ibuf [dreg:s7], $0x2FFFF;
	_ =	strace $0x9FFFFFFF  }
0xc8: {  	(tm) =	ssettm $0x7FFFFFFF  }
0xc9: {  	_ =	shalt  }
tec
execute0_lowered:
.L_overlay_start_1:
0x0: {  	(tag) =	ssettag $0x1  }
0x1: {  	s1 =	stileid.u32  }
0x2: {  	p0 =	sgt.u32 s1, $0x7  }
.Ltmp0:
0x3: {  	_ = 	snop;
	(pc) =	sbr.rel @p0 .LBB2_11-.Ltmp0, $4  }
0x4: {  	s4 =	rddreg [dreg:$0x0]  }
0x5: {  	s5 =	rddreg [dreg:$0x1];
	s2 =	simm.s32 $0x0  }
0x6: {  	[smem:$0x7FF] =	sst s2  }
0x7: {  	s0 =	rddreg [dreg:$0x2];
	_ =	strace $0x80000047  }
0x8: {  	s3 =	srdreg.scid;
	s26 =	sshll.u32 s1, $0x1  }
0x9: {  	s8 =	sshrl.u32 s1, $0x2;
	s10 =	sadd.s32 $0x274600, s4;
	s13 =	simm.s32 $0xA280  }
0xa: {  	s16 =	simm.s32 $0xA200;
	s17 =	simm.s32 $0xE280;
	s6 =	sand.u32 $0x1, s3  }
0xb: {  	s28 =	sshll.u32 s8, $0xA;
	s8 =	smul.u32 $0x27400, s8;
	s7 =	sor.u32 s6, s26  }
0xc: {  	s18 =	simm.s32 $0x11280;
	s19 =	simm.s32 $0x0;
	s11 =	smul.u32 $0xE00, s7  }
0xd: {  	s29 =	ssub.s32 $0x2, s6;
	s3 =	sshll.u32 s7, $0x7;
	s14 =	smul.u32 $0x4E2, s7  }
0xe: {  	s6 =	sshrl.u32 s29, $0x1;
	s15 =	scvt.s32.f32 s7;
	s9 =	sand.u32 $0x380, s3  }
0xf: {  	s3 =	sadd.s32 $0x600, s4;
	s30 =	ssub.s32 s29, s6;
	s12 =	sor.u32 s28, s9  }
0x10: {  	s11 =	sadd.s32 s11, s4;
	s8 =	sor.u32 s8, s9;
	s7 =	smax.u32 s30, $0x1  }
0x11: {  	s9 =	simm.s32 $0x400;
	v0 =	vmov s14;
	v1 =	vmov s15;
	s14 =	simm.s32 $0x1;
	s15 =	simm.s32 $0x60  }
0x12: {  	s12 =	sshrl.u32 s12, $0x3;
	s31 =	sshrl.u32 s8, $0x3;
	s8 =	simm.s32 $0x80  }
0x13: {  	s4 =	sadd.s32 s5, s12;
	s5 =	sadd.s32 $0x4E800, s11;
	s6 =	sadd.s32 s10, s31  }
0x14: {  	v2 =	vimm.s32 $0x80000000;
	v3 =	vimm.s32 $0x0;
	v4 =	vlaneseq.u32;
	s10 =	simm.s32 $0x2;
	s11 =	simm.s32 $0x4E80;
	s12 =	simm.s32 $0xA180  }
.LBB2_2:
0x15: {  	s20 =	simm.s32 $0x0  }
0x16: {  	[tilespmem:s20], [sflag:$0x2] =	stream.strided.gather [hbm4b:s6+s8], $0x4E80, s9, s8, $0x38;
	[tilespmem:$0x18280] =	vst v63  }
0x17: {  	_ =	swait.ge [sflag:s10], $0x4E80  }
0x18: {  	[sflag:s10] =	ssyncset.done $0x0  }
0x19: {  	[sflag:s10] =	ssyncadd.s32 $0xFFFFB180  }
0x1a: {  	[tilespmem:s11], [sflag:$0x2] =	stream.linear.gather [hbm4b:s4+s20], $0x80, $0x38;
	[tilespmem:$0x18280] =	vst v63  }
0x1b: {  	_ =	swait.ge [sflag:s10], $0x80  }
0x1c: {  	[sflag:s10] =	ssyncset.done $0x0  }
0x1d: {  	[sflag:s10] =	ssyncadd.s32 $0xFFFFFF80  }
0x1e: {  	v5 =	vld.msk [tilespmem:$0x4E80 ss:$0x0], $0xffff;
	[tilespmem:$0x4F00] =	vst v2  }
0x1f: {  	[tilespmem:$0x5000] =	vst v3  }
0x20: {  	[tilespmem:$0x4F10] =	vst v2  }
0x21: {  	[tilespmem:$0x5010] =	vst v3  }
0x22: {  	[tilespmem:$0x4F20] =	vst v2  }
0x23: {  	[tilespmem:$0x5020] =	vst v3  }
0x24: {  	[tilespmem:$0x4F30] =	vst v2  }
0x25: {  	[tilespmem:$0x5030] =	vst v3  }
0x26: {  	[tilespmem:$0x4F40] =	vst v2  }
0x27: {  	[tilespmem:$0x5040] =	vst v3  }
0x28: {  	[tilespmem:$0x4F50] =	vst v2  }
0x29: {  	[tilespmem:$0x5050] =	vst v3  }
0x2a: {  	[tilespmem:$0x4F60] =	vst v2  }
0x2b: {  	[tilespmem:$0x5060] =	vst v3  }
0x2c: {  	[tilespmem:$0x4F70] =	vst v2  }
0x2d: {  	[tilespmem:$0x5070] =	vst v3  }
0x2e: {  	[tilespmem:$0x4F80] =	vst v2  }
0x2f: {  	[tilespmem:$0x5080] =	vst v3  }
0x30: {  	[tilespmem:$0x4F90] =	vst v2  }
0x31: {  	[tilespmem:$0x5090] =	vst v3  }
0x32: {  	[tilespmem:$0x4FA0] =	vst v2  }
0x33: {  	[tilespmem:$0x50A0] =	vst v3  }
0x34: {  	[tilespmem:$0x4FB0] =	vst v2  }
0x35: {  	[tilespmem:$0x50B0] =	vst v3  }
0x36: {  	[tilespmem:$0x4FC0] =	vst v2  }
0x37: {  	[tilespmem:$0x50C0] =	vst v3  }
0x38: {  	[tilespmem:$0x4FD0] =	vst v2  }
0x39: {  	[tilespmem:$0x50D0] =	vst v3  }
0x3a: {  	v6 =	vld [tilespmem:s20+$0x0];
	_ =	sdelay $0x4  }
0x3b: {  	vm0 =	vgt.s32 v6, v5  }
0x3c: {  	vm1 =	veq.s32 v6, v5;
	v7 =	vmpcnt.ones.xlane vm0  }
0x3d: {  	[tilespmem:s20+$0x4F00] =	vst.msk vm0, v6;
	v6 =	vmpcnt.ones.xlane vm1  }
0x3e: {  	(v2sf) =	vpush v7, $0x0  }
0x3f: {  	(v2sf) =	vpush v6, $0x0;
	_ =	sdelay $0x3  }
0x40: {  	v8 =	vor.u32 s20, v4  }
0x41: {  	[tilespmem:s20+$0x5000] =	vst.msk vm0, v8  }
0x42: {  	s22 =	simm.s32 $0x10;
	[tilespmem:s20+$0x5100] =	vst.msk vm1, v8  }
0x43: {  	s23 =	simm.s32 $0x20;
	s21 =	simm.s32 $0x0;
	s24 =	simm.s32 $0x10;
	v6 =	vld [tilespmem:s22+$0x0]  }
.LBB2_3:
0x44: {  	p0 =	sne.s32 s23, $0x4E70;
	_ =	sdelay $0x3  }
0x45: {  	vm0 =	vgt.s32 v6, v5;
	vm1 =	veq.s32 v6, v5  }
0x46: {  	v7 =	vmpcnt.ones.xlane vm0;
	v8 =	vmpcnt.ones.xlane vm1  }
0x47: {  	s25 =	spop (v2sf)  }
0x48: {  	(v2sf) =	vpush v7, $0x0;
	s20 =	sadd.s32 s20, s25;
	s25 =	spop (v2sf)  }
0x49: {  	v7 =	vor.u32 s22, v4;
	s22 =	smov.u32 s23;
	[tilespmem:s20+$0x4F00] =	vst.msk vm0, v6;
	(v2sf) =	vpush v8, $0x0;
	s21 =	sadd.s32 s21, s25  }
0x4a: {  	[tilespmem:s20+$0x5000] =	vst.msk vm0, v7  }
0x4b: {  	[tilespmem:s21+$0x5100] =	vst.msk vm1, v7  }
.Ltmp1:
0x4c: {  	(pc) =	sbr.rel @p0 .LBB2_3-.Ltmp1, $3  }
0x4d: {  	_ =	sdelay $0x1  }
0x4e: {  	s24 =	sadd.s32 $0x10, s24  }
0x4f: {  	s23 =	sadd.s32 $0x10, s23;
	v6 =	vld [tilespmem:s24+$0x0]  }
0x50: {  	_ =	sdelay $0x5  }
0x51: {  	s23 =	spop (v2sf)  }
0x52: {  	vm0 =	vgt.s32 v6, v5;
	s20 =	sadd.s32 s20, s23  }
0x53: {  	v7 =	vor.u32 s22, v4;
	s29 =	spop (v2sf);
	[tilespmem:s20+$0x4F00] =	vst.msk vm0, v6  }
0x54: {  	vm1 =	veq.s32 v6, v5;
	s21 =	sadd.s32 s21, s29;
	[tilespmem:s20+$0x5000] =	vst.msk vm0, v7  }
0x55: {  	[tilespmem:s21+$0x5100] =	vst.msk vm1, v7  }
0x56: {  	v5 =	vld [tilespmem:$0x4F00]  }
0x57: {  	v6 =	vld [tilespmem:$0x4F10]  }
0x58: {  	v7 =	vld [tilespmem:$0x4F20]  }
0x59: {  	v8 =	vld [tilespmem:$0x4F40]  }
0x5a: {  	v9 =	vld [tilespmem:$0x4F50]  }
0x5b: {  	v10 =	vld [tilespmem:$0x4F60]  }
0x5c: {  	v11 =	vld [tilespmem:$0x4F70]  }
0x5d: {  	v12 =	vld [tilespmem:$0x4FA0]  }
0x5e: {  	v13 =	vld [tilespmem:$0x4FB0]  }
0x5f: {  	v14 =	vld [tilespmem:$0x4F80]  }
0x60: {  	v15 =	vld [tilespmem:$0x4F90]  }
0x61: {  	v16 =	vld [tilespmem:$0x4F30];
	_ =	sdelay $0x1  }
0x62: {  	vm2 =	vgt.s32 v12, v13  }
0x63: {  	v18 =	vsel vm2, v12, v13;
	vm2 =	vgt.s32 v10, v11  }
0x64: {  	v17 =	vld [tilespmem:$0x4FC0];
	vm3 =	vgt.s32 v14, v15;
	v19 =	vsel vm2, v10, v11;
	vm2 =	vgt.s32 v8, v9  }
0x65: {  	vm4 =	vgt.s32 v7, v16;
	v20 =	vsel vm2, v8, v9;
	vm2 =	vgt.s32 v5, v6  }
0x66: {  	v21 =	vsel vm3, v14, v15;
	v23 =	vsel vm4, v7, v16;
	v22 =	vsel vm2, v5, v6  }
0x67: {  	vm3 =	vgt.s32 v21, v18;
	vm2 =	vgt.s32 v20, v19;
	vm4 =	vgt.s32 v22, v23  }
0x68: {  	v18 =	vsel vm3, v21, v18;
	v19 =	vsel vm2, v20, v19;
	v20 =	vsel vm4, v22, v23  }
0x69: {  	vm2 =	vgt.s32 v18, v17;
	vm3 =	vgt.s32 v20, v19  }
0x6a: {  	v18 =	vsel vm2, v18, v17;
	v19 =	vsel vm3, v20, v19  }
0x6b: {  	vm2 =	vgt.s32 v19, v18  }
0x6c: {  	v18 =	vsel vm2, v19, v18  }
0x6d: {  	v18 =	vxor.u32 $0x80000000, v18  }
0x6e: {  	(xrf0) =	vmax.scan.msk.u32 $0xffff, v18;
	_ =	sdelay $0x1  }
0x6f: {  	v18 =	vmpcnt.ones.xlane vm0;
	_ =	sdelay $0x1  }
0x70: {  	v19 =	vmpcnt.ones.xlane vm1  }
0x71: {  	(v2sf) =	vpush v18, $0x0  }
0x72: {  	(v2sf) =	vpush v19, $0x0;
	v18, _, _ =	vpop (xrf0)  }
0x73: {  	(v2sf) =	vpush v18, $0xF;
	_ =	sdelay $0x9  }
0x74: {  	v24 =	vld [tilespmem:$0x5090]  }
0x75: {  	v25 =	vld [tilespmem:$0x50A0]  }
0x76: {  	v26 =	vld [tilespmem:$0x5030]  }
0x77: {  	v29 =	vld [tilespmem:$0x5040];
	s30 =	spop (v2sf)  }
0x78: {  	v21 =	vld [tilespmem:$0x5060];
	s31 =	spop (v2sf)  }
0x79: {  	v22 =	vld [tilespmem:$0x5080];
	s22 =	spop (v2sf)  }
0x7a: {  	v28 =	vimm.s32 $0x0;
	v18 =	vld [tilespmem:$0x5000];
	s22 =	sxor.u32 $0x80000000, s22  }
0x7b: {  	v23 =	vld [tilespmem:$0x5070];
	vm1 =	veq.s32 v5, s22;
	vm0 =	veq.s32 v14, s22;
	vm2 =	veq.s32 v15, s22  }
0x7c: {  	v20 =	vld [tilespmem:$0x5020];
	vm7 =	veq.s32 v16, s22;
	vm6 =	veq.s32 v11, s22;
	vm5 =	veq.s32 v6, s22  }
0x7d: {  	v19 =	vld [tilespmem:$0x5010];
	vm4 =	veq.s32 v8, s22;
	vm9 =	veq.s32 v10, s22;
	vm11 =	veq.s32 v12, s22  }
0x7e: {  	v27 =	vld [tilespmem:$0x50B0];
	vm3 =	veq.s32 v7, s22;
	vm10 =	veq.s32 v9, s22;
	v28 =	vsel vm0, $0xFFFFFFFF, v28  }
0x7f: {  	v31 =	vnsel vm0, $0x40000000, v22;
	vm0 =	veq.s32 v13, s22;
	v32 =	vnsel vm1, $0x40000000, v18  }
0x80: {  	v30 =	vnsel vm9, $0x40000000, v21;
	v33 =	vnsel vm6, $0x40000000, v23;
	v34 =	vnsel vm2, $0x40000000, v24;
	[tilespmem:$0x1FFF0] =	vst v28;
	v28 =	vld [tilespmem:$0x5050]  }
0x81: {  	v35 =	vnsel vm11, $0x40000000, v25;
	v36 =	vnsel vm3, $0x40000000, v20;
	v37 =	vnsel vm7, $0x40000000, v26  }
0x82: {  	v39 =	vnsel vm5, $0x40000000, v19;
	v41 =	vnsel vm4, $0x40000000, v29;
	vm8 =	vlt.s32 v30, v33  }
0x83: {  	v38 =	vnsel vm0, $0x40000000, v27;
	vm13 =	vlt.s32 v36, v37;
	v33 =	vsel vm8, v30, v33  }
0x84: {  	v30 =	vld [tilespmem:$0x50C0];
	vm14 =	vlt.s32 v35, v38;
	vm8 =	veq.s32 v17, s22;
	v36 =	vsel vm13, v36, v37  }
0x85: {  	v35 =	vsel vm14, v35, v38;
	vm14 =	vlt.s32 v31, v34;
	v40 =	vnsel vm10, $0x40000000, v28  }
0x86: {  	vm13 =	vlt.s32 v32, v39;
	v31 =	vsel vm14, v31, v34;
	vm14 =	vlt.s32 v41, v40  }
0x87: {  	v32 =	vsel vm13, v32, v39;
	vm13 =	vlt.s32 v31, v35;
	v61 =	vsel vm14, v41, v40  }
0x88: {  	v31 =	vsel vm13, v31, v35;
	vm14 =	vlt.s32 v32, v36;
	vm13 =	vlt.s32 v61, v33  }
0x89: {  	v62 =	vnsel vm8, $0x40000000, v30;
	v32 =	vsel vm14, v32, v36;
	v33 =	vsel vm13, v61, v33  }
0x8a: {  	vm13 =	vlt.s32 v31, v62;
	vm14 =	vlt.s32 v32, v33  }
0x8b: {  	v31 =	vsel vm13, v31, v62;
	v32 =	vsel vm14, v32, v33  }
0x8c: {  	vm13 =	vlt.s32 v32, v31  }
0x8d: {  	v31 =	vsel vm13, v32, v31  }
0x8e: {  	v31 =	vxor.u32 $0x80000000, v31  }
0x8f: {  	(xrf0) =	vmin.scan.msk.u32 $0xffff, v31;
	_ =	sdelay $0x5  }
0x90: {  	v63, _, _ =	vpop (xrf0)  }
0x91: {  	s21 =	simm.s32 $0x0;
	s20 =	sadd.s32 s20, s30;
	s22 =	simm.s32 $0x1;
	v31 =	vimm.s32 $0x0;
	(v2sf) =	vpush v63, $0xF  }
.LBB2_5:
0x92: {  	_ =	sdelay $0xd  }
0x93: {  	s24 =	sand.u32 $0xF, s21;
	s30 =	spop (v2sf)  }
0x94: {  	v32 =	vmov s24;
	s24 =	sxor.u32 $0x80000000, s30  }
0x95: {  	vm13 =	veq.s32 v32, v4;
	vm14 =	veq.s32 v25, s24;
	vm15 =	veq.s32 v27, s24  }
0x96: {  	v31 =	vsel vm13, s24, v31;
	vm13 =	veq.s32 v26, s24;
	vm12 =	vmand vm11, vm14  }
0x97: {  	vm11 =	vmand vm0, vm15;
	vm7 =	vmand vm7, vm13;
	vm13 =	veq.s32 v22, s24  }
0x98: {  	vm14 =	veq.s32 v24, s24;
	vm15 =	veq.s32 v18, s24;
	vm0 =	veq.s32 v21, s24  }
0x99: {  	v12 =	vsel vm12, $0x80000000, v12;
	v13 =	vsel vm11, $0x80000000, v13;
	vm11 =	veq.s32 v19, s24  }
0x9a: {  	vm12 =	veq.s32 v23, s24;
	vm2 =	vmand vm2, vm14;
	vm0 =	vmand vm9, vm0  }
0x9b: {  	v16 =	vsel vm7, $0x80000000, v16;
	vm12 =	vmand vm6, vm12;
	vm6 =	veq.s32 v30, s24  }
0x9c: {  	v34 =	vld [tilespmem:$0x1FFF0];
	vm14 =	vgt.s32 v12, v13;
	v15 =	vsel vm2, $0x80000000, v15;
	vm2 =	vmand vm5, vm11  }
0x9d: {  	vm5 =	veq.s32 v29, s24;
	v10 =	vsel vm0, $0x80000000, v10;
	vm0 =	vmand vm1, vm15  }
0x9e: {  	v49 =	vsel vm14, v12, v13;
	v6 =	vsel vm2, $0x80000000, v6;
	vm2 =	vmand vm4, vm5  }
0x9f: {  	v11 =	vsel vm12, $0x80000000, v11;
	vm4 =	veq.s32 v28, s24;
	v5 =	vsel vm0, $0x80000000, v5  }
0xa0: {  	v8 =	vsel vm2, $0x80000000, v8;
	vm1 =	vgt.s32 v10, v11;
	vm2 =	veq.s32 v20, s24  }
0xa1: {  	v33 =	vsel vm1, v10, v11;
	vm1 =	vmand vm10, vm4;
	vm4 =	vnez.u8 v34  }
0xa2: {  	vm2 =	vmand vm3, vm2;
	vm4 =	vmand vm4, vm13;
	v9 =	vsel vm1, $0x80000000, v9  }
0xa3: {  	v7 =	vsel vm2, $0x80000000, v7;
	vm2 =	vgt.s32 v5, v6;
	v14 =	vsel vm4, $0x80000000, v14  }
0xa4: {  	vm1 =	vgt.s32 v8, v9;
	v51 =	vsel vm2, v5, v6;
	vm3 =	vgt.s32 v14, v15  }
0xa5: {  	v50 =	vsel vm1, v8, v9;
	v35 =	vsel vm3, v14, v15;
	vm3 =	vgt.s32 v7, v16  }
0xa6: {  	vm0 =	vgt.s32 v50, v33;
	vm1 =	vgt.s32 v35, v49;
	v36 =	vsel vm3, v7, v16  }
0xa7: {  	v33 =	vsel vm0, v50, v33;
	vm0 =	vmand vm8, vm6;
	vm2 =	vgt.s32 v51, v36  }
0xa8: {  	v32 =	vsel vm1, v35, v49;
	v17 =	vsel vm0, $0x80000000, v17;
	v34 =	vsel vm2, v51, v36  }
0xa9: {  	vm0 =	vgt.s32 v32, v17;
	vm1 =	vgt.s32 v34, v33  }
0xaa: {  	v32 =	vsel vm0, v32, v17;
	v33 =	vsel vm1, v34, v33  }
0xab: {  	vm0 =	vgt.s32 v33, v32  }
0xac: {  	v32 =	vsel vm0, v33, v32  }
0xad: {  	v32 =	vxor.u32 $0x80000000, v32  }
0xae: {  	(xrf0) =	vmax.scan.msk.u32 $0xffff, v32;
	_ =	sdelay $0x5  }
0xaf: {  	v32, _, _ =	vpop (xrf0)  }
0xb0: {  	(v2sf) =	vpush v32, $0xF;
	_ =	sdelay $0xe  }
0xb1: {  	s23 =	smov.u32 s22;
	s31 =	spop (v2sf)  }
0xb2: {  	s25 =	sand.u32 $0xF0, s21;
	s21 =	smov.u32 s23;
	s23 =	sxor.u32 $0x80000000, s31  }
0xb3: {  	v52 =	vimm.s32 $0x0;
	v53 =	vimm.s32 $0x0;
	vm1 =	veq.s32 v5, s23  }
0xb4: {  	vm0 =	veq.s32 v14, s23;
	vm2 =	veq.s32 v15, s23;
	vm7 =	veq.s32 v16, s23  }
0xb5: {  	vm6 =	veq.s32 v11, s23;
	vm5 =	veq.s32 v6, s23;
	vm4 =	veq.s32 v8, s23  }
0xb6: {  	vm12 =	veq.s32 v13, s23;
	vm9 =	veq.s32 v10, s23;
	vm11 =	veq.s32 v12, s23  }
0xb7: {  	vm3 =	veq.s32 v7, s23;
	vm10 =	veq.s32 v9, s23;
	vm8 =	veq.s32 v17, s23  }
0xb8: {  	v32 =	vsel vm1, $0xFFFFFFFF, v52;
	v54 =	vnsel vm0, $0x40000000, v22;
	v55 =	vnsel vm1, $0x40000000, v18  }
0xb9: {  	v56 =	vnsel vm9, $0x40000000, v21;
	v57 =	vnsel vm6, $0x40000000, v23;
	v58 =	vnsel vm2, $0x40000000, v24  }
0xba: {  	v37 =	vnsel vm11, $0x40000000, v25;
	v38 =	vnsel vm3, $0x40000000, v20;
	v39 =	vnsel vm7, $0x40000000, v26  }
0xbb: {  	v59 =	vnsel vm12, $0x40000000, v27;
	v40 =	vnsel vm5, $0x40000000, v19;
	v41 =	vnsel vm10, $0x40000000, v28  }
0xbc: {  	v42 =	vnsel vm4, $0x40000000, v29;
	v62 =	vnsel vm8, $0x40000000, v30;
	[tilespmem:$0x1FFE0] =	vst v32;
	v32 =	vsel vm0, $0xFFFFFFFF, v53  }
0xbd: {  	vm0 =	vlt.s32 v56, v57;
	vm13 =	vlt.s32 v37, v59;
	vm14 =	vlt.s32 v55, v40  }
0xbe: {  	vm15 =	vlt.s32 v42, v41;
	vm1 =	vlt.s32 v54, v58;
	v34 =	vsel vm0, v56, v57  }
0xbf: {  	vm0 =	vlt.s32 v38, v39;
	v35 =	vsel vm13, v37, v59;
	v61 =	vsel vm15, v42, v41  }
0xc0: {  	[tilespmem:$0x1FFF0] =	vst v32;
	v32 =	vsel vm1, v54, v58;
	v33 =	vsel vm14, v55, v40;
	v60 =	vsel vm0, v38, v39  }
0xc1: {  	vm0 =	vlt.s32 v32, v35;
	vm13 =	vlt.s32 v61, v34;
	vm1 =	vlt.s32 v33, v60  }
0xc2: {  	v32 =	vsel vm0, v32, v35;
	v34 =	vsel vm13, v61, v34;
	v33 =	vsel vm1, v33, v60  }
0xc3: {  	vm0 =	vlt.s32 v32, v62;
	vm1 =	vlt.s32 v33, v34  }
0xc4: {  	v32 =	vsel vm0, v32, v62;
	v33 =	vsel vm1, v33, v34  }
0xc5: {  	vm0 =	vlt.s32 v33, v32  }
0xc6: {  	v32 =	vsel vm0, v33, v32  }
0xc7: {  	v32 =	vxor.u32 $0x80000000, v32  }
0xc8: {  	(xrf0) =	vmin.scan.msk.u32 $0xffff, v32;
	_ =	sdelay $0x1  }
0xc9: {  	p0 =	sne.s32 s22, $0xC7;
	v63 =	vld [tilespmem:$0x1FFE0]  }
.Ltmp2:
0xca: {  	_ = 	snop;
	(pc) =	sbr.rel @p0 .LBB2_5-.Ltmp2, $3  }
0xcb: {  	_ =	sdelay $0x1  }
0xcc: {  	v32, _, _ =	vpop (xrf0)  }
0xcd: {  	s22 =	sadd.s32 $0x1, s22;
	[tilespmem:s25+$0x9F80] =	vst v31;
	vm1 =	vnez.u8 v63;
	vm0 =	vmmov vm12;
	(v2sf) =	vpush v32, $0xF  }
0xce: {  	_ =	sdelay $0xc  }
0xcf: {  	s22 =	sand.u32 $0xF, s21  }
0xd0: {  	v5 =	vmov s22;
	s30 =	spop (v2sf)  }
0xd1: {  	vm0 =	veq.s32 v5, v4;
	s22 =	sxor.u32 $0x80000000, s30  }
0xd2: {  	s31 =	sand.u32 $0xF0, s21;
	v5 =	vsel vm0, s22, v31  }
0xd3: {  	p0 =	sgt.s32 s20, $0xCF;
	[tilespmem:s31+$0x9F80] =	vst v5  }
0xd4: {  	v5 =	vld @!p0 [tilespmem:$0x5100];
	_ =	sdelay $0x3  }
0xd5: {  	s21 =	sadd.s32 $0x10, s20  }
0xd6: {  	[tilespmem:s20+$0x9F80] =	vst @!p0 v5;
	p0 =	sgt.s32 s21, $0xCF  }
0xd7: {  	v5 =	vld @!p0 [tilespmem:$0x5110];
	_ =	sdelay $0x3  }
0xd8: {  	s22 =	sadd.s32 $0x20, s20  }
0xd9: {  	[tilespmem:s21+$0x9F80] =	vst @!p0 v5;
	p0 =	sgt.s32 s22, $0xCF  }
0xda: {  	v5 =	vld @!p0 [tilespmem:$0x5120];
	_ =	sdelay $0x3  }
0xdb: {  	s21 =	sadd.s32 $0x30, s20  }
0xdc: {  	[tilespmem:s22+$0x9F80] =	vst @!p0 v5;
	p0 =	sgt.s32 s21, $0xCF  }
0xdd: {  	v5 =	vld @!p0 [tilespmem:$0x5130];
	_ =	sdelay $0x3  }
0xde: {  	s22 =	sadd.s32 $0x40, s20  }
0xdf: {  	[tilespmem:s21+$0x9F80] =	vst @!p0 v5;
	p0 =	sgt.s32 s22, $0xCF  }
0xe0: {  	v5 =	vld @!p0 [tilespmem:$0x5140];
	_ =	sdelay $0x3  }
0xe1: {  	s21 =	sadd.s32 $0x50, s20  }
0xe2: {  	[tilespmem:s22+$0x9F80] =	vst @!p0 v5;
	p0 =	sgt.s32 s21, $0xCF  }
0xe3: {  	v5 =	vld @!p0 [tilespmem:$0x5150];
	_ =	sdelay $0x3  }
0xe4: {  	s22 =	sadd.s32 $0x60, s20  }
0xe5: {  	[tilespmem:s21+$0x9F80] =	vst @!p0 v5;
	p0 =	sgt.s32 s22, $0xCF  }
0xe6: {  	v5 =	vld @!p0 [tilespmem:$0x5160];
	_ =	sdelay $0x3  }
0xe7: {  	s21 =	sadd.s32 $0x70, s20  }
0xe8: {  	[tilespmem:s22+$0x9F80] =	vst @!p0 v5;
	p0 =	sgt.s32 s21, $0xCF  }
0xe9: {  	v5 =	vld @!p0 [tilespmem:$0x5170];
	_ =	sdelay $0x3  }
0xea: {  	s22 =	sadd.s32 $0x80, s20  }
0xeb: {  	[tilespmem:s21+$0x9F80] =	vst @!p0 v5;
	p0 =	sgt.s32 s22, $0xCF  }
0xec: {  	v5 =	vld @!p0 [tilespmem:$0x5180];
	_ =	sdelay $0x3  }
0xed: {  	s21 =	sadd.s32 $0x90, s20  }
0xee: {  	[tilespmem:s22+$0x9F80] =	vst @!p0 v5;
	p0 =	sgt.s32 s21, $0xCF  }
0xef: {  	v5 =	vld @!p0 [tilespmem:$0x5190];
	_ =	sdelay $0x3  }
0xf0: {  	s22 =	sadd.s32 $0xA0, s20  }
0xf1: {  	[tilespmem:s21+$0x9F80] =	vst @!p0 v5;
	p0 =	sgt.s32 s22, $0xCF  }
0xf2: {  	v5 =	vld @!p0 [tilespmem:$0x51A0];
	_ =	sdelay $0x3  }
0xf3: {  	s21 =	sadd.s32 $0xB0, s20  }
0xf4: {  	[tilespmem:s22+$0x9F80] =	vst @!p0 v5;
	p0 =	sgt.s32 s21, $0xCF  }
0xf5: {  	v5 =	vld @!p0 [tilespmem:$0x51B0];
	_ =	sdelay $0x3  }
0xf6: {  	s20 =	sadd.s32 $0xC0, s20  }
0xf7: {  	[tilespmem:s21+$0x9F80] =	vst @!p0 v5;
	p0 =	sgt.s32 s20, $0xCF  }
0xf8: {  	v5 =	vld @!p0 [tilespmem:$0x51C0];
	_ =	sdelay $0x4  }
0xf9: {  	[tilespmem:s20+$0x9F80] =	vst @!p0 v5  }
0xfa: {  	v5 =	vld [tilespmem:$0x9F80];
	_ =	sdelay $0x2  }
0xfb: {  	v6 =	vld [tilespmem:$0x9F90];
	_ =	sdelay $0x1  }
0xfc: {  	vm14 =	vgt.s32 v5, $0x0  }
0xfd: {  	v7 =	vld [tilespmem:$0x9FA0];
	v5 =	vnsel vm14, $0x0, v5  }
0xfe: {  	v5 =	vmin.u32 v5, $0x4E1F  }
0xff: {  	vm15 =	vgt.s32 v6, $0x0;
	[tilespmem:$0x9F80] =	vst v5;
	v8 =	vshrl.u32 v5, $0x4;
	v5 =	vand.u32 $0xF, v5  }
0x100: {  	v8 =	vadd.s32 v0, v8;
	[tilespmem:$0xA080] =	vst v5;
	v5 =	vnsel vm15, $0x0, v6;
	v6 =	vld [tilespmem:$0x9FB0]  }
0x101: {  	[tilespmem:$0xA180] =	vst v8;
	v5 =	vmin.u32 v5, $0x4E1F  }
0x102: {  	vm4 =	vgt.s32 v7, $0x0;
	[tilespmem:$0x9F90] =	vst v5;
	v53 =	vshrl.u32 v5, $0x4;
	v5 =	vand.u32 $0xF, v5  }
0x103: {  	v8 =	vadd.s32 v0, v53;
	[tilespmem:$0xA090] =	vst v5;
	v5 =	vnsel vm4, $0x0, v7;
	v7 =	vld [tilespmem:$0x9FC0]  }
0x104: {  	[tilespmem:$0xA190] =	vst v8;
	v5 =	vmin.u32 v5, $0x4E1F  }
0x105: {  	[tilespmem:$0x9FA0] =	vst v5;
	v54 =	vshrl.u32 v5, $0x4;
	v5 =	vand.u32 $0xF, v5;
	vm5 =	vgt.s32 v6, $0x0  }
0x106: {  	v8 =	vadd.s32 v0, v54;
	[tilespmem:$0xA0A0] =	vst v5;
	v5 =	vnsel vm5, $0x0, v6;
	v6 =	vld [tilespmem:$0x9FD0]  }
0x107: {  	[tilespmem:$0xA1A0] =	vst v8;
	v5 =	vmin.u32 v5, $0x4E1F  }
0x108: {  	[tilespmem:$0x9FB0] =	vst v5;
	v55 =	vshrl.u32 v5, $0x4;
	v5 =	vand.u32 $0xF, v5;
	vm6 =	vgt.s32 v7, $0x0  }
0x109: {  	v8 =	vadd.s32 v0, v55;
	[tilespmem:$0xA0B0] =	vst v5;
	v5 =	vnsel vm6, $0x0, v7;
	v7 =	vld [tilespmem:$0x9FE0]  }
0x10a: {  	[tilespmem:$0xA1B0] =	vst v8;
	v5 =	vmin.u32 v5, $0x4E1F  }
0x10b: {  	[tilespmem:$0x9FC0] =	vst v5;
	v56 =	vshrl.u32 v5, $0x4;
	v5 =	vand.u32 $0xF, v5;
	vm7 =	vgt.s32 v6, $0x0  }
0x10c: {  	v8 =	vadd.s32 v0, v56;
	[tilespmem:$0xA0C0] =	vst v5;
	v5 =	vnsel vm7, $0x0, v6;
	v6 =	vld [tilespmem:$0x9FF0]  }
0x10d: {  	[tilespmem:$0xA1C0] =	vst v8;
	v5 =	vmin.u32 v5, $0x4E1F  }
0x10e: {  	[tilespmem:$0x9FD0] =	vst v5;
	v57 =	vshrl.u32 v5, $0x4;
	v5 =	vand.u32 $0xF, v5;
	vm8 =	vgt.s32 v7, $0x0  }
0x10f: {  	v8 =	vadd.s32 v0, v57;
	[tilespmem:$0xA0D0] =	vst v5;
	v5 =	vnsel vm8, $0x0, v7;
	v7 =	vld [tilespmem:$0xA000]  }
0x110: {  	[tilespmem:$0xA1D0] =	vst v8;
	v5 =	vmin.u32 v5, $0x4E1F  }
0x111: {  	[tilespmem:$0x9FE0] =	vst v5;
	v58 =	vshrl.u32 v5, $0x4;
	v5 =	vand.u32 $0xF, v5;
	vm9 =	vgt.s32 v6, $0x0  }
0x112: {  	v8 =	vadd.s32 v0, v58;
	[tilespmem:$0xA0E0] =	vst v5;
	v5 =	vnsel vm9, $0x0, v6;
	v6 =	vld [tilespmem:$0xA010]  }
0x113: {  	[tilespmem:$0xA1E0] =	vst v8;
	v5 =	vmin.u32 v5, $0x4E1F  }
0x114: {  	[tilespmem:$0x9FF0] =	vst v5;
	v59 =	vshrl.u32 v5, $0x4;
	v5 =	vand.u32 $0xF, v5;
	vm10 =	vgt.s32 v7, $0x0  }
0x115: {  	v8 =	vadd.s32 v0, v59;
	[tilespmem:$0xA0F0] =	vst v5;
	v5 =	vnsel vm10, $0x0, v7;
	v7 =	vld [tilespmem:$0xA020]  }
0x116: {  	[tilespmem:$0xA1F0] =	vst v8;
	v5 =	vmin.u32 v5, $0x4E1F  }
0x117: {  	[tilespmem:$0xA000] =	vst v5;
	v60 =	vshrl.u32 v5, $0x4;
	v5 =	vand.u32 $0xF, v5;
	vm11 =	vgt.s32 v6, $0x0  }
0x118: {  	v8 =	vadd.s32 v0, v60;
	[tilespmem:$0xA100] =	vst v5;
	v5 =	vnsel vm11, $0x0, v6;
	v6 =	vld [tilespmem:$0xA030]  }
0x119: {  	[tilespmem:$0xA200] =	vst v8;
	v5 =	vmin.u32 v5, $0x4E1F  }
0x11a: {  	[tilespmem:$0xA010] =	vst v5;
	v61 =	vshrl.u32 v5, $0x4;
	v5 =	vand.u32 $0xF, v5;
	vm12 =	vgt.s32 v7, $0x0  }
0x11b: {  	v8 =	vadd.s32 v0, v61;
	[tilespmem:$0xA110] =	vst v5;
	v5 =	vnsel vm12, $0x0, v7;
	v7 =	vld [tilespmem:$0xA040]  }
0x11c: {  	[tilespmem:$0xA210] =	vst v8;
	v5 =	vmin.u32 v5, $0x4E1F  }
0x11d: {  	[tilespmem:$0xA020] =	vst v5;
	v62 =	vshrl.u32 v5, $0x4;
	v5 =	vand.u32 $0xF, v5;
	vm13 =	vgt.s32 v6, $0x0  }
0x11e: {  	v8 =	vadd.s32 v0, v62;
	[tilespmem:$0xA120] =	vst v5;
	v5 =	vnsel vm13, $0x0, v6;
	v6 =	vld [tilespmem:$0xA050]  }
0x11f: {  	[tilespmem:$0xA220] =	vst v8;
	v5 =	vmin.u32 v5, $0x4E1F  }
0x120: {  	[tilespmem:$0xA030] =	vst v5;
	v63 =	vshrl.u32 v5, $0x4;
	v5 =	vand.u32 $0xF, v5;
	vm14 =	vgt.s32 v7, $0x0  }
0x121: {  	[tilespmem:$0xA130] =	vst v5;
	v5 =	vadd.s32 v0, v63;
	v7 =	vnsel vm14, $0x0, v7  }
0x122: {  	[tilespmem:$0xA230] =	vst v5;
	v5 =	vmin.u32 v7, $0x4E1F  }
0x123: {  	[tilespmem:$0xA040] =	vst v5;
	v7 =	vshrl.u32 v5, $0x4;
	v5 =	vand.u32 $0xF, v5;
	vm15 =	vgt.s32 v6, $0x0  }
0x124: {  	[tilespmem:$0xA140] =	vst v5;
	v5 =	vnsel vm15, $0x0, v6;
	v6 =	vadd.s32 v0, v7  }
0x125: {  	[tilespmem:$0xA240] =	vst v6;
	v5 =	vmin.u32 v5, $0x4E1F  }
0x126: {  	[tilespmem:$0xA050] =	vst v5;
	v6 =	vshrl.u32 v5, $0x4;
	v5 =	vand.u32 $0xF, v5  }
0x127: {  	v6 =	vadd.s32 v0, v6;
	[tilespmem:$0xA150] =	vst v5  }
0x128: {  	[tilespmem:$0xA250] =	vst v6  }
0x129: {  	[tilespmem:s13], [sflag:$0x1] =	stream.indirect.gather [hbm4b:s3+s8], $0x80, s12, s8, $0xb8;
	[tilespmem:$0x18280] =	vst v63  }
0x12a: {  	_ =	swait.ge [sflag:s14], $0x4000  }
0x12b: {  	[sflag:s14] =	ssyncset.done $0x0  }
0x12c: {  	[sflag:s14] =	ssyncadd.s32 $0xFFFFC000  }
0x12d: {  	[tilespmem:s17], [sflag:$0x1] =	stream.indirect.gather [hbm4b:s3+s15], $0x80, s16, s15, $0xb8;
	[tilespmem:$0x18280] =	vst v63  }
0x12e: {  	_ =	swait.ge [sflag:s14], $0x3000  }
0x12f: {  	s22 =	simm.s32 $0x0;
	[sflag:s14] =	ssyncset.done $0x0  }
0x130: {  	s21 =	simm.s32 $0x0;
	s20 =	simm.s32 $0xA080;
	[sflag:s14] =	ssyncadd.s32 $0xFFFFD000  }
.LBB2_7:
0x131: {  	v6 =	vld [tilespmem:s20+$0x0];
	_ =	sdelay $0x2  }
0x132: {  	v7 =	vmov s22;
	v5 =	vmul.u32 $0x80, v4  }
0x133: {  	v7 =	vshll.u32 v7, $0x7  }
0x134: {  	v7 =	vor.u32 v5, v7;
	v8 =	vand.u32 $0xFFFFFF80, v6  }
0x135: {  	v9 =	vand.u32 $0x7F, v6;
	v10 =	vadd.s32 $0x10, v6;
	v11 =	vadd.s32 $0x20, v6  }
0x136: {  	v13 =	vadd.s32 $0x30, v6;
	v58 =	vadd.s32 $0x50, v6;
	v6 =	vadd.s32 $0x40, v6  }
0x137: {  	v8 =	vadd.s32 v7, v8;
	v55 =	vand.u32 $0xFFFFFF80, v10;
	v12 =	vand.u32 $0xFFFFFF80, v11  }
0x138: {  	v11 =	vand.u32 $0x7F, v11;
	v14 =	vand.u32 $0xFFFFFF80, v13;
	v12 =	vadd.s32 v7, v12  }
0x139: {  	v56 =	vand.u32 $0x7F, v13;
	v57 =	vadd.s32 v7, v14;
	v11 =	vor.u32 v11, v12  }
0x13a: {  	v10 =	vand.u32 $0x7F, v10;
	v59 =	vand.u32 $0xFFFFFF80, v58;
	v12 =	vor.u32 v56, v57  }
0x13b: {  	v60 =	vand.u32 $0xFFFFFF80, v6;
	v8 =	vor.u32 v9, v8;
	v9 =	vadd.s32 v7, v55  }
0x13c: {  	v13 =	vand.u32 $0x7F, v58;
	v9 =	vor.u32 v10, v9;
	v10 =	vadd.s32 v7, v59  }
0x13d: {  	v6 =	vand.u32 $0x7F, v6;
	v14 =	vadd.s32 v7, v60;
	v10 =	vor.u32 v13, v10  }
0x13e: {  	v6 =	vor.u32 v6, v14;
	v11 =	vld.idx.msk [tilespmem:v11+s13+$0x0], $0xffff  }
0x13f: {  	v12 =	vld.idx.msk [tilespmem:v12+s13+$0x0], $0xffff  }
0x140: {  	v8 =	vld.idx.msk [tilespmem:v8+s13+$0x0], $0xffff  }
0x141: {  	v9 =	vld.idx.msk [tilespmem:v9+s13+$0x0], $0xffff  }
0x142: {  	v61 =	vor.u32 $0x1, v7;
	v10 =	vld.idx.msk [tilespmem:v10+s13+$0x0], $0xffff  }
0x143: {  	v62 =	vor.u32 $0x2, v7;
	v6 =	vld.idx.msk [tilespmem:v6+s13+$0x0], $0xffff;
	v11 =	vmul.f32 $5.000000000e-01, v11  }
0x144: {  	v15 =	vor.u32 $0x3, v7;
	v12 =	vmul.f32 $5.000000000e-01, v12  }
0x145: {  	v17 =	vor.u32 $0x4, v7;
	v16 =	vsub.f32 v8, v11  }
0x146: {  	v19 =	vor.u32 $0x5, v7;
	[tilespmem:v7+s18+$0x0] =	vst.idx.msk $0xffff, v1;
	v18 =	vsub.f32 v9, v12  }
0x147: {  	p0 =	sne.s32 s22, $0x70;
	v7 =	vor.u32 $0x6, v7;
	[tilespmem:v61+s18+$0x0] =	vst.idx.msk $0xffff, v10;
	v8 =	vadd.f32 v11, v8;
	v63 =	vmul.f32 $1.564945210e-03, v16  }
.Ltmp3:
0x148: {  	[tilespmem:v62+s18+$0x0] =	vst.idx.msk $0xffff, v6;
	v9 =	vadd.f32 v12, v9;
	v6 =	vmul.f32 $1.564945210e-03, v18;
	(pc) =	sbr.rel @p0 .LBB2_7-.Ltmp3, $4  }
0x149: {  	v8 =	vmul.f32 $1.564945210e-03, v8;
	[tilespmem:v15+s18+$0x0] =	vst.idx.msk $0xffff, v63  }
0x14a: {  	v9 =	vmul.f32 $1.564945210e-03, v9;
	[tilespmem:v17+s18+$0x0] =	vst.idx.msk $0xffff, v6  }
0x14b: {  	[tilespmem:v19+s18+$0x0] =	vst.idx.msk $0xffff, v8  }
0x14c: {  	s20 =	sadd.s32 $0x10, s20;
	s22 =	sadd.s32 $0x10, s22;
	[tilespmem:v7+s18+$0x0] =	vst.idx.msk $0xffff, v9  }
0x14d: {  	s20 =	simm.s32 $0xA100  }
0x14e: {  	v6 =	vld [tilespmem:s20+$0x0];
	_ =	sdelay $0x2  }
0x14f: {  	v7 =	vmov s21  }
0x150: {  	v7 =	vshll.u32 v7, $0x7  }
0x151: {  	v7 =	vor.u32 v5, v7;
	v8 =	vand.u32 $0x7F, v6  }
0x152: {  	v9 =	vadd.s32 $0x10, v6;
	v10 =	vadd.s32 $0x50, v6;
	v11 =	vand.u32 $0xFFFFFF80, v6  }
0x153: {  	v12 =	vadd.s32 $0x30, v6;
	v14 =	vadd.s32 $0x20, v6;
	v6 =	vadd.s32 $0x40, v6  }
0x154: {  	v13 =	vand.u32 $0x7F, v10;
	v15 =	vand.u32 $0xFFFFFF80, v9;
	v16 =	vand.u32 $0xFFFFFF80, v14  }
0x155: {  	v10 =	vand.u32 $0xFFFFFF80, v10;
	v14 =	vand.u32 $0x7F, v14;
	v16 =	vadd.s32 v7, v16  }
0x156: {  	v17 =	vand.u32 $0xFFFFFF80, v12;
	v11 =	vadd.s32 v7, v11;
	v14 =	vor.u32 v14, v16  }
0x157: {  	v12 =	vand.u32 $0x7F, v12;
	v8 =	vor.u32 v8, v11;
	v16 =	vadd.s32 v7, v17  }
0x158: {  	v9 =	vand.u32 $0x7F, v9;
	v11 =	vadd.s32 v7, v15;
	v12 =	vor.u32 v12, v16  }
0x159: {  	v10 =	vadd.s32 v7, v10;
	v9 =	vor.u32 v9, v11;
	v11 =	vand.u32 $0xFFFFFF80, v6  }
0x15a: {  	v13 =	vor.u32 v13, v10;
	v6 =	vand.u32 $0x7F, v6;
	v7 =	vadd.s32 v7, v11  }
0x15b: {  	s31 =	simm.s32 $0x80;
	v6 =	vor.u32 v6, v7;
	v15 =	vld.idx.msk [tilespmem:v14+s17+$0x0], $0xffff  }
0x15c: {  	v7 =	vmov s31;
	v10 =	vld.idx.msk [tilespmem:v8+s17+$0x0], $0xffff  }
0x15d: {  	v7 =	vshll.u32 v7, $0x7;
	v14 =	vld.idx.msk [tilespmem:v12+s17+$0x0], $0xffff  }
0x15e: {  	v7 =	vor.u32 v5, v7;
	v8 =	vld.idx.msk [tilespmem:v9+s17+$0x0], $0xffff  }
0x15f: {  	v11 =	vld.idx.msk [tilespmem:v13+s17+$0x0], $0xffff;
	v13 =	vor.u32 $0x1, v7  }
0x160: {  	s21 =	simm.s32 $0x10;
	v12 =	vor.u32 $0x2, v7;
	v9 =	vld.idx.msk [tilespmem:v6+s17+$0x0], $0xffff;
	v6 =	vor.u32 $0x3, v7;
	v15 =	vmul.f32 $5.000000000e-01, v15  }
.LBB2_9:
0x161: {  	p0 =	sne.s32 s21, $0x50  }
0x162: {  	v14 =	vmul.f32 $5.000000000e-01, v14;
	s20 =	sadd.s32 $0x10, s20;
	s22 =	smov.u32 s21;
	s21 =	sadd.s32 $0x10, s21  }
0x163: {  	v16 =	vsub.f32 v10, v15;
	v10 =	vadd.f32 v15, v10;
	v15 =	vor.u32 $0x4, v7  }
0x164: {  	v17 =	vsub.f32 v8, v14;
	v8 =	vadd.f32 v14, v8;
	[tilespmem:v7+s18+$0x0] =	vst.idx.msk $0xffff, v1;
	v14 =	vor.u32 $0x5, v7  }
0x165: {  	v7 =	vor.u32 $0x6, v7;
	v16 =	vmul.f32 $1.564945210e-03, v16;
	[tilespmem:v13+s18+$0x0] =	vst.idx.msk $0xffff, v11  }
0x166: {  	v11 =	vmul.f32 $1.564945210e-03, v17;
	[tilespmem:v12+s18+$0x0] =	vst.idx.msk $0xffff, v9  }
0x167: {  	v9 =	vmul.f32 $1.564945210e-03, v10;
	[tilespmem:v6+s18+$0x0] =	vst.idx.msk $0xffff, v16  }
0x168: {  	v6 =	vmul.f32 $1.564945210e-03, v8;
	[tilespmem:v15+s18+$0x0] =	vst.idx.msk $0xffff, v11  }
0x169: {  	v8 =	vmov s22;
	[tilespmem:v14+s18+$0x0] =	vst.idx.msk $0xffff, v9  }
0x16a: {  	v8 =	vshll.u32 v8, $0x7;
	[tilespmem:v7+s18+$0x0] =	vst.idx.msk $0xffff, v6  }
0x16b: {  	v6 =	vld [tilespmem:s20+$0x0]  }
0x16c: {  	v7 =	vor.u32 v5, v8;
	_ =	sdelay $0x3  }
0x16d: {  	v8 =	vand.u32 $0x7F, v6;
	v9 =	vadd.s32 $0x10, v6;
	v10 =	vadd.s32 $0x50, v6  }
0x16e: {  	v11 =	vand.u32 $0xFFFFFF80, v6;
	v12 =	vadd.s32 $0x30, v6;
	v13 =	vand.u32 $0x7F, v10  }
0x16f: {  	v15 =	vadd.s32 $0x20, v6;
	v14 =	vand.u32 $0xFFFFFF80, v9;
	v10 =	vand.u32 $0xFFFFFF80, v10  }
0x170: {  	v9 =	vand.u32 $0x7F, v9;
	v16 =	vand.u32 $0xFFFFFF80, v15;
	v15 =	vand.u32 $0x7F, v15  }
0x171: {  	v11 =	vadd.s32 v7, v11;
	v17 =	vand.u32 $0xFFFFFF80, v12;
	v16 =	vadd.s32 v7, v16  }
0x172: {  	v12 =	vand.u32 $0x7F, v12;
	v15 =	vor.u32 v15, v16;
	v16 =	vadd.s32 v7, v17  }
0x173: {  	v8 =	vor.u32 v8, v11;
	v11 =	vadd.s32 v7, v14;
	v12 =	vor.u32 v12, v16  }
0x174: {  	v6 =	vadd.s32 $0x40, v6;
	v10 =	vadd.s32 v7, v10;
	v9 =	vor.u32 v9, v11  }
0x175: {  	v11 =	vand.u32 $0xFFFFFF80, v6;
	v13 =	vor.u32 v13, v10  }
0x176: {  	v6 =	vand.u32 $0x7F, v6;
	v7 =	vadd.s32 v7, v11  }
0x177: {  	v6 =	vor.u32 v6, v7;
	v15 =	vld.idx.msk [tilespmem:v15+s17+$0x0], $0xffff  }
0x178: {  	s22 =	sadd.s32 $0x80, s22;
	v14 =	vld.idx.msk [tilespmem:v12+s17+$0x0], $0xffff  }
.Ltmp4:
0x179: {  	v7 =	vmov s22;
	v10 =	vld.idx.msk [tilespmem:v8+s17+$0x0], $0xffff;
	(pc) =	sbr.rel @p0 .LBB2_9-.Ltmp4, $4  }
0x17a: {  	v7 =	vshll.u32 v7, $0x7;
	v8 =	vld.idx.msk [tilespmem:v9+s17+$0x0], $0xffff  }
0x17b: {  	v7 =	vor.u32 v5, v7;
	v11 =	vld.idx.msk [tilespmem:v13+s17+$0x0], $0xffff  }
0x17c: {  	v13 =	vor.u32 $0x1, v7;
	v9 =	vld.idx.msk [tilespmem:v6+s17+$0x0], $0xffff;
	v6 =	vor.u32 $0x3, v7  }
0x17d: {  	v12 =	vor.u32 $0x2, v7;
	v15 =	vmul.f32 $5.000000000e-01, v15  }
0x17e: {  	_ =	sdelay $0x1  }
0x17f: {  	v5 =	vmul.f32 $5.000000000e-01, v14  }
0x180: {  	v16 =	vor.u32 $0x4, v7;
	v59 =	vsub.f32 v10, v15  }
0x181: {  	[tilespmem:v7+s18+$0x0] =	vst.idx.msk $0xffff, v1;
	v18 =	vor.u32 $0x5, v7;
	v17 =	vsub.f32 v8, v5  }
0x182: {  	v7 =	vor.u32 $0x6, v7;
	v60 =	vadd.f32 v15, v10;
	[tilespmem:v13+s18+$0x0] =	vst.idx.msk $0xffff, v11;
	v61 =	vmul.f32 $1.564945210e-03, v59  }
0x183: {  	v5 =	vadd.f32 v5, v8;
	[tilespmem:v12+s18+$0x0] =	vst.idx.msk $0xffff, v9;
	v62 =	vmul.f32 $1.564945210e-03, v17  }
0x184: {  	v63 =	vmul.f32 $1.564945210e-03, v60;
	[tilespmem:v6+s18+$0x0] =	vst.idx.msk $0xffff, v61  }
0x185: {  	s19 =	sadd.s32 $0x1, s19;
	v5 =	vmul.f32 $1.564945210e-03, v5;
	[tilespmem:v16+s18+$0x0] =	vst.idx.msk $0xffff, v62  }
0x186: {  	p0 =	sne.s32 s19, s7;
	[tilespmem:v18+s18+$0x0] =	vst.idx.msk $0xffff, v63  }
.Ltmp5:
0x187: {  	[tilespmem:v7+s18+$0x0] =	vst.idx.msk $0xffff, v5;
	(pc) =	sbr.rel @p0 .LBB2_2-.Ltmp5, $4  }
0x188: {  	[hbm4b:s5+s2] =	stream.linear.scatter [tilespmem:s18], [sflag:$0x2], $0x7000, $0x38;
	[tilespmem:$0x18280] =	vst v63  }
0x189: {  	_ =	swait.ge [sflag:s10], $0x7000  }
0x18a: {  	[sflag:s10] =	ssyncset.done $0x0  }
0x18b: {  	[sflag:s10] =	ssyncadd.s32 $0xFFFF9000  }
.LBB2_11:
0x18c: {  	_ =	sfence.sel $0x180000  }
0x18d: {  	[bflag:$0x0] =	sbarrier.arrive $0xFFFF  }
0x18e: {  	p0 =	sne.s32 s1, $0x0;
	_ =	strace $0x90000047  }
0x18f: {  	s0 =	sadd.s32 @!p0 $0x100000, s0;
	[bflag:$0x2] =	sbarrier.arrive $0xFFFF  }
0x190: {  	[sflag:s0] =	ssyncadd.tile.s32 @!p0 $0x1;
	_ =	shalt  }
.Lfunc_end2:
_tile_overlayer_lowered:
.L_overlay_start_2:
0x191: {  	(tag) =	ssettag $0x2  }
0x192: {  	s0 =	rddreg [dreg:$0x0];
	s2 =	stileid.u32  }
0x193: {  	s1 =	rddreg [dreg:$0x1];
	p0 =	sne.s32 s2, $0x0  }
0x194: {  	s3 =	rddreg [dreg:$0x2];
	[bflag:$0x3] =	sbarrier.arrive $0xFFFF;
	s2 =	simm.s32 @!p0 $0x1C02  }
0x195: {  	[timem:s3], [sflag:s2] =	dma.local @!p0 [hbm:s0], s1  }
0x196: {  	s0 =	simm.s32 @!p0 $0x2  }
0x197: {  	_ =	swait.ge @!p0 [sflag:s0], s1  }
0x198: {  	s1 =	ssub.s32 @!p0 $0x0, s1;
	[sflag:s0] =	ssyncset.done @!p0 $0x0  }
0x199: {  	[sflag:s0] =	ssyncadd.s32 @!p0 s1  }
0x19a: {  	[bflag:$0x3] =	sbarrier.arrive $0xFFFF  }
0x19b: {  	_ =	shalt  }

</sc_bundles>
